<compile_context>
chip_gen: v7x
topology: tpu7x:2x2x1
jax: 0.10.2.dev20260603
libtpu: 0.0.44.dev20260713+nightly
codegen_flags: <defaults>
</compile_context>

<pallas_src>
import functools

import jax
import jax.numpy as jnp
from jax import lax
from jax.experimental import pallas as pl
from jax.experimental.pallas import tpu as pltpu
from jax.experimental.pallas import tpu_sc as plsc

NC = 2
NS = 16
NW = NC * NS

G = 128
CH = 512
NB = 2
K = CH // G

PBLK = 2000



def _prep_body(e_ref, w_ref, b_ref, o_ref):
    i = pl.program_id(0)
    nvalid = pl.num_programs(0) - 1
    y = lax.dot_general(
        e_ref[...], w_ref[...], (((1,), (1,)), ((), ())),
        preferred_element_type=jnp.float32,
    )
    y = (y + b_ref[...]).astype(jnp.bfloat16)
    o_ref[...] = jnp.where(i < nvalid, y, jnp.zeros_like(y))


def _tc_prepass(emb_table, W, b):
    v, hid = emb_table.shape
    nblk = v // PBLK
    return pl.pallas_call(
        _prep_body,
        grid=(nblk + 1,),
        in_specs=[
            pl.BlockSpec((PBLK, hid), lambda i: (jnp.minimum(i, nblk - 1), 0)),
            pl.BlockSpec((hid, hid), lambda i: (0, 0)),
            pl.BlockSpec((1, hid), lambda i: (0, 0)),
        ],
        out_specs=pl.BlockSpec((PBLK, hid), lambda i: (i, 0)),
        out_shape=jax.ShapeDtypeStruct((v + PBLK, hid), jnp.bfloat16),
    )(emb_table, W, b.reshape(1, hid))



def _gather_body(ids_hbm, table_hbm, out_hbm, idx_v, rows_v, sems):
    wid = lax.axis_index("s") * NC + lax.axis_index("c")
    rw = idx_v.shape[0] * idx_v.shape[1]
    nch = rw // CH
    hw = CH // 2
    base = wid * (rw // 2)
    hid = table_hbm.shape[1]
    pltpu.sync_copy(ids_hbm.at[wid], idx_v)

    def start(c, bf):
        for h in range(2):
            for j in range(K // 2):
                pltpu.async_copy(
                    table_hbm.at[idx_v.at[c * K + h * (K // 2) + j]],
                    rows_v.at[bf, h, pl.ds(j * G, G)],
                    sems.at[bf],
                )

    def drain_and_write(c, bf):
        for h in range(2):
            pltpu.make_async_copy(
                out_hbm.at[pl.ds(0, hw), pl.ds(0, hid)],
                rows_v.at[bf, h],
                sems.at[bf],
            ).wait()
        for h in range(2):
            pltpu.sync_copy(
                rows_v.at[bf, h],
                out_hbm.at[pl.ds(base + c * hw, hw), pl.ds(h * hid, hid)],
            )

    for bf in range(NB):
        start(bf, bf)

    def group(g, _):
        for bf in range(NB):
            c = g * NB + bf
            drain_and_write(c, bf)
            start(c + NB, bf)
        return 0

    lax.fori_loop(0, nch // NB - 1, group, 0)
    for bf in range(NB):
        drain_and_write(nch - NB + bf, bf)


def _sc_gather(ids_r, table_bf16):
    n = ids_r.shape[0] * ids_r.shape[1] * ids_r.shape[2]
    hid = table_bf16.shape[1]
    rw = n // NW
    kern = functools.partial(
        pl.kernel,
        out_type=jax.ShapeDtypeStruct((n // 2, 2 * hid), jnp.bfloat16),
        mesh=plsc.VectorSubcoreMesh(core_axis_name="c", subcore_axis_name="s"),
        scratch_types=[
            pltpu.VMEM((rw // G, G), jnp.int32),
            pltpu.VMEM((NB, 2, CH // 2, hid), jnp.bfloat16),
            pltpu.SemaphoreType.DMA((NB,)),
        ],
        compiler_params=pltpu.CompilerParams(use_tc_tiling_on_sc=False),
    )(_gather_body)
    return kern(ids_r, table_bf16)


def kernel(token_ids, attention_mask, emb_table, W, b):
    bsz, seq = token_ids.shape
    v, hid = emb_table.shape
    n = bsz * seq
    table_bf16 = _tc_prepass(emb_table, W, b)
    ids = jnp.where(attention_mask == 0, v, token_ids).reshape(n)
    ids_r = (
        ids.reshape(NW, (n // NW) // CH, CH // 2, 2)
        .transpose(0, 1, 3, 2)
        .reshape(NW, (n // NW) // G, G)
    )
    rows_w = _sc_gather(ids_r, table_bf16)
    return rows_w.astype(jnp.float32).reshape(bsz, seq, hid)

# --- scband reference (transcript-rebuilt; emitter-appended) ---
"""Pipeline reference for scband-student-text-encoder-64811056496861 (READ-ONLY COPY).

The authoritative reference and input builder live on the scoring server;
editing this copy changes nothing except your own understanding.
"""

import jax, jax.numpy as jnp
import numpy as np

VOCAB = 1000000
HID = 64
B = 4096
L = 200

def setup_inputs(seed: int = 0) -> dict:
    key = jax.random.key(seed)
    k1, k2, k3, k4, k5 = jax.random.split(key, 5)
    token_ids = jax.random.randint(k1, (B, L), 0, VOCAB, dtype=jnp.int64 if jax.config.jax_enable_x64 else jnp.int32).astype(jnp.int32)
    attention_mask = jax.random.randint(k2, (B, L), 0, 2, dtype=jnp.int32)
    emb_table = jax.random.normal(k3, (VOCAB, HID), dtype=jnp.float32) * 0.02
    W = jax.random.normal(k4, (HID, HID), dtype=jnp.float32) * (1.0 / np.sqrt(HID))
    b = jax.random.normal(k5, (HID,), dtype=jnp.float32) * 0.01
    return {"token_ids": token_ids, "attention_mask": attention_mask, "emb_table": emb_table, "W": W, "b": b}

def reference(token_ids, attention_mask, emb_table, W, b):
    # tokens = embedding(token_ids)
    tokens = jnp.take(emb_table, token_ids, axis=0)  # [B, L, HID]
    # tokens = proj(tokens)  (nn.Linear: x @ W.T + b)
    tokens = jnp.einsum('bld,od->blo', tokens, W) + b
    # mask = attention_mask.unsqueeze(-1).to(dtype)
    mask = attention_mask[..., None].astype(tokens.dtype)
    return tokens * mask

if __name__ == "__main__":
    import jax
    _d = setup_inputs()
    print(jax.jit(kernel)(*tuple(_d.values())))

</pallas_src>

<mosaic_0001>
#map = affine_map<(d0, d1) -> (0, 0, 0)>
#map1 = affine_map<(d0, d1) -> (0, 0)>
module attributes {stable_mosaic.version = 14 : i64} {
  func.func @_gather_body(%arg0: i32, %arg1: i32, %arg2: memref<32x200x128xi32, #tpu.memory_space<hbm>>, %arg3: memref<1002000x64xbf16, #tpu.memory_space<hbm>>, %arg4: memref<409600x128xbf16, #tpu.memory_space<hbm>>, %arg5: memref<200x128xi32, #tpu.memory_space<vmem>>, %arg6: memref<2x2x256x64xbf16, #tpu.memory_space<vmem>>, %arg7: memref<2x!tpu.dma_semaphore, #tpu.memory_space<semaphore_mem>>) attributes {dimension_semantics = [#tpu.dimension_semantics<core_parallel>, #tpu.dimension_semantics<subcore_parallel>], iteration_bounds = array<i64: 2, 16>, scalar_prefetch = 0 : i64, scratch_operands = 3 : i64, tpu.core_type = #tpu.core_type<sc_vector_subcore>, window_params = [{transform_indices = #map}, {transform_indices = #map1}, {transform_indices = #map1}]} {
    %mul3A = arith.constant 2 : i32
    %mul3A_0 = arith.muli %arg1, %mul3A : i32
    %add3A = arith.addi %mul3A_0, %arg0 : i32
    %mul3A_1 = arith.constant 12800 : i32
    %mul3A_2 = arith.muli %add3A, %mul3A_1 : i32
    "tpu.region"() ({
      %run_scoped3A_226 = tpu.sem_alloc : memref<!tpu.dma_semaphore, #tpu.memory_space<semaphore_mem>>
      %dma_start3A_227 = arith.constant 0 : i32
      %dma_start3A_228 = arith.constant 0 : i32
      %dma_start3A_229 = tpu.memref_slice %arg2[%add3A, %dma_start3A_227, %dma_start3A_228] : memref<32x200x128xi32, #tpu.memory_space<hbm>> -> memref<1x200x128xi32, #tpu.memory_space<hbm>>
      %dma_start3A_230 = tpu.memref_squeeze %dma_start3A_229 : memref<1x200x128xi32, #tpu.memory_space<hbm>> -> memref<200x128xi32, #tpu.memory_space<hbm>>
      %dma_start3A_231 = arith.constant 0 : i32
      %dma_start3A_232 = arith.constant 0 : i32
      %dma_start3A_233 = tpu.memref_slice %arg2[%add3A, %dma_start3A_231, %dma_start3A_232] : memref<32x200x128xi32, #tpu.memory_space<hbm>> -> memref<1x200x128xi32, #tpu.memory_space<hbm>>
      %dma_start3A_234 = tpu.memref_squeeze %dma_start3A_233 : memref<1x200x128xi32, #tpu.memory_space<hbm>> -> memref<200x128xi32, #tpu.memory_space<hbm>>
      tpu.enqueue_dma source(%dma_start3A_234 : memref<200x128xi32, #tpu.memory_space<hbm>>) target(%arg5 : memref<200x128xi32, #tpu.memory_space<vmem>>) target_semaphore(%run_scoped3A_226 : memref<!tpu.dma_semaphore, #tpu.memory_space<semaphore_mem>>)
      %dma_wait3A_235 = arith.constant 0 : i32
      %dma_wait3A_236 = arith.constant 0 : i32
      %dma_wait3A_237 = tpu.memref_slice %arg2[%add3A, %dma_wait3A_235, %dma_wait3A_236] : memref<32x200x128xi32, #tpu.memory_space<hbm>> -> memref<1x200x128xi32, #tpu.memory_space<hbm>>
      %dma_wait3A_238 = tpu.memref_squeeze %dma_wait3A_237 : memref<1x200x128xi32, #tpu.memory_space<hbm>> -> memref<200x128xi32, #tpu.memory_space<hbm>>
      %dma_wait3A_239 = arith.constant 0 : i32
      %dma_wait3A_240 = arith.constant 0 : i32
      %dma_wait3A_241 = tpu.memref_slice %arg2[%add3A, %dma_wait3A_239, %dma_wait3A_240] : memref<32x200x128xi32, #tpu.memory_space<hbm>> -> memref<1x200x128xi32, #tpu.memory_space<hbm>>
      %dma_wait3A_242 = tpu.memref_squeeze %dma_wait3A_241 : memref<1x200x128xi32, #tpu.memory_space<hbm>> -> memref<200x128xi32, #tpu.memory_space<hbm>>
      tpu.wait_dma2 semaphore(%run_scoped3A_226 : memref<!tpu.dma_semaphore, #tpu.memory_space<semaphore_mem>>) src(%dma_wait3A_242 : memref<200x128xi32, #tpu.memory_space<hbm>>) dst(%arg5 : memref<200x128xi32, #tpu.memory_space<vmem>>)
      tpu.yield
    }) : () -> ()
    %dma_start3A = arith.constant 0 : i32
    %dma_start3A_3 = arith.constant 0 : i32
    %dma_start3A_4 = arith.constant 0 : i32
    %dma_start3A_5 = arith.constant 0 : i32
    %dma_start3A_6 = arith.constant 0 : i32
    %dma_start3A_7 = arith.constant 0 : i32
    %dma_start3A_8 = tpu.memref_slice %arg6[%dma_start3A_3, %dma_start3A_4, %dma_start3A_6, %dma_start3A_7] : memref<2x2x256x64xbf16, #tpu.memory_space<vmem>> -> memref<1x1x128x64xbf16, #tpu.memory_space<vmem>>
    %dma_start3A_9 = tpu.memref_squeeze %dma_start3A_8 : memref<1x1x128x64xbf16, #tpu.memory_space<vmem>> -> memref<128x64xbf16, #tpu.memory_space<vmem>>
    %dma_start3A_10 = arith.constant 0 : i32
    %dma_start3A_11 = tpu.memref_slice %arg5[%dma_start3A, %dma_start3A_10] : memref<200x128xi32, #tpu.memory_space<vmem>> -> memref<1x128xi32, #tpu.memory_space<vmem>>
    %dma_start3A_12 = tpu.memref_squeeze %dma_start3A_11 : memref<1x128xi32, #tpu.memory_space<vmem>> -> memref<128xi32, #tpu.memory_space<vmem>>
    %dma_start3A_13 = arith.constant 0 : i32
    %dma_start3A_14 = arith.constant 0 : i32
    %dma_start3A_15 = tpu.memref_slice %arg3[%dma_start3A_13, %dma_start3A_14] : memref<1002000x64xbf16, #tpu.memory_space<hbm>> -> memref<1002000x64xbf16, #tpu.memory_space<hbm>>
    %dma_start3A_16 = tpu.memref_slice %arg7[%dma_start3A_5] : memref<2x!tpu.dma_semaphore, #tpu.memory_space<semaphore_mem>> -> memref<1x!tpu.dma_semaphore, #tpu.memory_space<semaphore_mem>>
    %dma_start3A_17 = tpu.memref_squeeze %dma_start3A_16 : memref<1x!tpu.dma_semaphore, #tpu.memory_space<semaphore_mem>> -> memref<!tpu.dma_semaphore, #tpu.memory_space<semaphore_mem>>
    tpu.enqueue_indirect_dma source(%dma_start3A_15 : memref<1002000x64xbf16, #tpu.memory_space<hbm>>) target(%dma_start3A_9 : memref<128x64xbf16, #tpu.memory_space<vmem>>) offsets(%dma_start3A_12 : memref<128xi32, #tpu.memory_space<vmem>>) semaphore(%dma_start3A_17 : memref<!tpu.dma_semaphore, #tpu.memory_space<semaphore_mem>>)
    %dma_start3A_18 = arith.constant 1 : i32
    %dma_start3A_19 = arith.constant 0 : i32
    %dma_start3A_20 = arith.constant 0 : i32
    %dma_start3A_21 = arith.constant 0 : i32
    %dma_start3A_22 = arith.constant 128 : i32
    %dma_start3A_23 = arith.constant 0 : i32
    %dma_start3A_24 = tpu.memref_slice %arg6[%dma_start3A_19, %dma_start3A_20, %dma_start3A_22, %dma_start3A_23] : memref<2x2x256x64xbf16, #tpu.memory_space<vmem>> -> memref<1x1x128x64xbf16, #tpu.memory_space<vmem>>
    %dma_start3A_25 = tpu.memref_squeeze %dma_start3A_24 : memref<1x1x128x64xbf16, #tpu.memory_space<vmem>> -> memref<128x64xbf16, #tpu.memory_space<vmem>>
    %dma_start3A_26 = arith.constant 0 : i32
    %dma_start3A_27 = tpu.memref_slice %arg5[%dma_start3A_18, %dma_start3A_26] : memref<200x128xi32, #tpu.memory_space<vmem>> -> memref<1x128xi32, #tpu.memory_space<vmem>>
    %dma_start3A_28 = tpu.memref_squeeze %dma_start3A_27 : memref<1x128xi32, #tpu.memory_space<vmem>> -> memref<128xi32, #tpu.memory_space<vmem>>
    %dma_start3A_29 = arith.constant 0 : i32
    %dma_start3A_30 = arith.constant 0 : i32
    %dma_start3A_31 = tpu.memref_slice %arg3[%dma_start3A_29, %dma_start3A_30] : memref<1002000x64xbf16, #tpu.memory_space<hbm>> -> memref<1002000x64xbf16, #tpu.memory_space<hbm>>
    %dma_start3A_32 = tpu.memref_slice %arg7[%dma_start3A_21] : memref<2x!tpu.dma_semaphore, #tpu.memory_space<semaphore_mem>> -> memref<1x!tpu.dma_semaphore, #tpu.memory_space<semaphore_mem>>
    %dma_start3A_33 = tpu.memref_squeeze %dma_start3A_32 : memref<1x!tpu.dma_semaphore, #tpu.memory_space<semaphore_mem>> -> memref<!tpu.dma_semaphore, #tpu.memory_space<semaphore_mem>>
    tpu.enqueue_indirect_dma source(%dma_start3A_31 : memref<1002000x64xbf16, #tpu.memory_space<hbm>>) target(%dma_start3A_25 : memref<128x64xbf16, #tpu.memory_space<vmem>>) offsets(%dma_start3A_28 : memref<128xi32, #tpu.memory_space<vmem>>) semaphore(%dma_start3A_33 : memref<!tpu.dma_semaphore, #tpu.memory_space<semaphore_mem>>)
    %dma_start3A_34 = arith.constant 2 : i32
    %dma_start3A_35 = arith.constant 0 : i32
    %dma_start3A_36 = arith.constant 1 : i32
    %dma_start3A_37 = arith.constant 0 : i32
    %dma_start3A_38 = arith.constant 0 : i32
    %dma_start3A_39 = arith.constant 0 : i32
    %dma_start3A_40 = tpu.memref_slice %arg6[%dma_start3A_35, %dma_start3A_36, %dma_start3A_38, %dma_start3A_39] : memref<2x2x256x64xbf16, #tpu.memory_space<vmem>> -> memref<1x1x128x64xbf16, #tpu.memory_space<vmem>>
    %dma_start3A_41 = tpu.memref_squeeze %dma_start3A_40 : memref<1x1x128x64xbf16, #tpu.memory_space<vmem>> -> memref<128x64xbf16, #tpu.memory_space<vmem>>
    %dma_start3A_42 = arith.constant 0 : i32
    %dma_start3A_43 = tpu.memref_slice %arg5[%dma_start3A_34, %dma_start3A_42] : memref<200x128xi32, #tpu.memory_space<vmem>> -> memref<1x128xi32, #tpu.memory_space<vmem>>
    %dma_start3A_44 = tpu.memref_squeeze %dma_start3A_43 : memref<1x128xi32, #tpu.memory_space<vmem>> -> memref<128xi32, #tpu.memory_space<vmem>>
    %dma_start3A_45 = arith.constant 0 : i32
    %dma_start3A_46 = arith.constant 0 : i32
    %dma_start3A_47 = tpu.memref_slice %arg3[%dma_start3A_45, %dma_start3A_46] : memref<1002000x64xbf16, #tpu.memory_space<hbm>> -> memref<1002000x64xbf16, #tpu.memory_space<hbm>>
    %dma_start3A_48 = tpu.memref_slice %arg7[%dma_start3A_37] : memref<2x!tpu.dma_semaphore, #tpu.memory_space<semaphore_mem>> -> memref<1x!tpu.dma_semaphore, #tpu.memory_space<semaphore_mem>>
    %dma_start3A_49 = tpu.memref_squeeze %dma_start3A_48 : memref<1x!tpu.dma_semaphore, #tpu.memory_space<semaphore_mem>> -> memref<!tpu.dma_semaphore, #tpu.memory_space<semaphore_mem>>
    tpu.enqueue_indirect_dma source(%dma_start3A_47 : memref<1002000x64xbf16, #tpu.memory_space<hbm>>) target(%dma_start3A_41 : memref<128x64xbf16, #tpu.memory_space<vmem>>) offsets(%dma_start3A_44 : memref<128xi32, #tpu.memory_space<vmem>>) semaphore(%dma_start3A_49 : memref<!tpu.dma_semaphore, #tpu.memory_space<semaphore_mem>>)
    %dma_start3A_50 = arith.constant 3 : i32
    %dma_start3A_51 = arith.constant 0 : i32
    %dma_start3A_52 = arith.constant 1 : i32
    %dma_start3A_53 = arith.constant 0 : i32
    %dma_start3A_54 = arith.constant 128 : i32
    %dma_start3A_55 = arith.constant 0 : i32
    %dma_start3A_56 = tpu.memref_slice %arg6[%dma_start3A_51, %dma_start3A_52, %dma_start3A_54, %dma_start3A_55] : memref<2x2x256x64xbf16, #tpu.memory_space<vmem>> -> memref<1x1x128x64xbf16, #tpu.memory_space<vmem>>
    %dma_start3A_57 = tpu.memref_squeeze %dma_start3A_56 : memref<1x1x128x64xbf16, #tpu.memory_space<vmem>> -> memref<128x64xbf16, #tpu.memory_space<vmem>>
    %dma_start3A_58 = arith.constant 0 : i32
    %dma_start3A_59 = tpu.memref_slice %arg5[%dma_start3A_50, %dma_start3A_58] : memref<200x128xi32, #tpu.memory_space<vmem>> -> memref<1x128xi32, #tpu.memory_space<vmem>>
    %dma_start3A_60 = tpu.memref_squeeze %dma_start3A_59 : memref<1x128xi32, #tpu.memory_space<vmem>> -> memref<128xi32, #tpu.memory_space<vmem>>
    %dma_start3A_61 = arith.constant 0 : i32
    %dma_start3A_62 = arith.constant 0 : i32
    %dma_start3A_63 = tpu.memref_slice %arg3[%dma_start3A_61, %dma_start3A_62] : memref<1002000x64xbf16, #tpu.memory_space<hbm>> -> memref<1002000x64xbf16, #tpu.memory_space<hbm>>
    %dma_start3A_64 = tpu.memref_slice %arg7[%dma_start3A_53] : memref<2x!tpu.dma_semaphore, #tpu.memory_space<semaphore_mem>> -> memref<1x!tpu.dma_semaphore, #tpu.memory_space<semaphore_mem>>
    %dma_start3A_65 = tpu.memref_squeeze %dma_start3A_64 : memref<1x!tpu.dma_semaphore, #tpu.memory_space<semaphore_mem>> -> memref<!tpu.dma_semaphore, #tpu.memory_space<semaphore_mem>>
    tpu.enqueue_indirect_dma source(%dma_start3A_63 : memref<1002000x64xbf16, #tpu.memory_space<hbm>>) target(%dma_start3A_57 : memref<128x64xbf16, #tpu.memory_space<vmem>>) offsets(%dma_start3A_60 : memref<128xi32, #tpu.memory_space<vmem>>) semaphore(%dma_start3A_65 : memref<!tpu.dma_semaphore, #tpu.memory_space<semaphore_mem>>)
    %dma_start3A_66 = arith.constant 4 : i32
    %dma_start3A_67 = arith.constant 1 : i32
    %dma_start3A_68 = arith.constant 0 : i32
    %dma_start3A_69 = arith.constant 1 : i32
    %dma_start3A_70 = arith.constant 0 : i32
    %dma_start3A_71 = arith.constant 0 : i32
    %dma_start3A_72 = tpu.memref_slice %arg6[%dma_start3A_67, %dma_start3A_68, %dma_start3A_70, %dma_start3A_71] : memref<2x2x256x64xbf16, #tpu.memory_space<vmem>> -> memref<1x1x128x64xbf16, #tpu.memory_space<vmem>>
    %dma_start3A_73 = tpu.memref_squeeze %dma_start3A_72 : memref<1x1x128x64xbf16, #tpu.memory_space<vmem>> -> memref<128x64xbf16, #tpu.memory_space<vmem>>
    %dma_start3A_74 = arith.constant 0 : i32
    %dma_start3A_75 = tpu.memref_slice %arg5[%dma_start3A_66, %dma_start3A_74] : memref<200x128xi32, #tpu.memory_space<vmem>> -> memref<1x128xi32, #tpu.memory_space<vmem>>
    %dma_start3A_76 = tpu.memref_squeeze %dma_start3A_75 : memref<1x128xi32, #tpu.memory_space<vmem>> -> memref<128xi32, #tpu.memory_space<vmem>>
    %dma_start3A_77 = arith.constant 0 : i32
    %dma_start3A_78 = arith.constant 0 : i32
    %dma_start3A_79 = tpu.memref_slice %arg3[%dma_start3A_77, %dma_start3A_78] : memref<1002000x64xbf16, #tpu.memory_space<hbm>> -> memref<1002000x64xbf16, #tpu.memory_space<hbm>>
    %dma_start3A_80 = tpu.memref_slice %arg7[%dma_start3A_69] : memref<2x!tpu.dma_semaphore, #tpu.memory_space<semaphore_mem>> -> memref<1x!tpu.dma_semaphore, #tpu.memory_space<semaphore_mem>>
    %dma_start3A_81 = tpu.memref_squeeze %dma_start3A_80 : memref<1x!tpu.dma_semaphore, #tpu.memory_space<semaphore_mem>> -> memref<!tpu.dma_semaphore, #tpu.memory_space<semaphore_mem>>
    tpu.enqueue_indirect_dma source(%dma_start3A_79 : memref<1002000x64xbf16, #tpu.memory_space<hbm>>) target(%dma_start3A_73 : memref<128x64xbf16, #tpu.memory_space<vmem>>) offsets(%dma_start3A_76 : memref<128xi32, #tpu.memory_space<vmem>>) semaphore(%dma_start3A_81 : memref<!tpu.dma_semaphore, #tpu.memory_space<semaphore_mem>>)
    %dma_start3A_82 = arith.constant 5 : i32
    %dma_start3A_83 = arith.constant 1 : i32
    %dma_start3A_84 = arith.constant 0 : i32
    %dma_start3A_85 = arith.constant 1 : i32
    %dma_start3A_86 = arith.constant 128 : i32
    %dma_start3A_87 = arith.constant 0 : i32
    %dma_start3A_88 = tpu.memref_slice %arg6[%dma_start3A_83, %dma_start3A_84, %dma_start3A_86, %dma_start3A_87] : memref<2x2x256x64xbf16, #tpu.memory_space<vmem>> -> memref<1x1x128x64xbf16, #tpu.memory_space<vmem>>
    %dma_start3A_89 = tpu.memref_squeeze %dma_start3A_88 : memref<1x1x128x64xbf16, #tpu.memory_space<vmem>> -> memref<128x64xbf16, #tpu.memory_space<vmem>>
    %dma_start3A_90 = arith.constant 0 : i32
    %dma_start3A_91 = tpu.memref_slice %arg5[%dma_start3A_82, %dma_start3A_90] : memref<200x128xi32, #tpu.memory_space<vmem>> -> memref<1x128xi32, #tpu.memory_space<vmem>>
    %dma_start3A_92 = tpu.memref_squeeze %dma_start3A_91 : memref<1x128xi32, #tpu.memory_space<vmem>> -> memref<128xi32, #tpu.memory_space<vmem>>
    %dma_start3A_93 = arith.constant 0 : i32
    %dma_start3A_94 = arith.constant 0 : i32
    %dma_start3A_95 = tpu.memref_slice %arg3[%dma_start3A_93, %dma_start3A_94] : memref<1002000x64xbf16, #tpu.memory_space<hbm>> -> memref<1002000x64xbf16, #tpu.memory_space<hbm>>
    %dma_start3A_96 = tpu.memref_slice %arg7[%dma_start3A_85] : memref<2x!tpu.dma_semaphore, #tpu.memory_space<semaphore_mem>> -> memref<1x!tpu.dma_semaphore, #tpu.memory_space<semaphore_mem>>
    %dma_start3A_97 = tpu.memref_squeeze %dma_start3A_96 : memref<1x!tpu.dma_semaphore, #tpu.memory_space<semaphore_mem>> -> memref<!tpu.dma_semaphore, #tpu.memory_space<semaphore_mem>>
    tpu.enqueue_indirect_dma source(%dma_start3A_95 : memref<1002000x64xbf16, #tpu.memory_space<hbm>>) target(%dma_start3A_89 : memref<128x64xbf16, #tpu.memory_space<vmem>>) offsets(%dma_start3A_92 : memref<128xi32, #tpu.memory_space<vmem>>) semaphore(%dma_start3A_97 : memref<!tpu.dma_semaphore, #tpu.memory_space<semaphore_mem>>)
    %dma_start3A_98 = arith.constant 6 : i32
    %dma_start3A_99 = arith.constant 1 : i32
    %dma_start3A_100 = arith.constant 1 : i32
    %dma_start3A_101 = arith.constant 1 : i32
    %dma_start3A_102 = arith.constant 0 : i32
    %dma_start3A_103 = arith.constant 0 : i32
    %dma_start3A_104 = tpu.memref_slice %arg6[%dma_start3A_99, %dma_start3A_100, %dma_start3A_102, %dma_start3A_103] : memref<2x2x256x64xbf16, #tpu.memory_space<vmem>> -> memref<1x1x128x64xbf16, #tpu.memory_space<vmem>>
    %dma_start3A_105 = tpu.memref_squeeze %dma_start3A_104 : memref<1x1x128x64xbf16, #tpu.memory_space<vmem>> -> memref<128x64xbf16, #tpu.memory_space<vmem>>
    %dma_start3A_106 = arith.constant 0 : i32
    %dma_start3A_107 = tpu.memref_slice %arg5[%dma_start3A_98, %dma_start3A_106] : memref<200x128xi32, #tpu.memory_space<vmem>> -> memref<1x128xi32, #tpu.memory_space<vmem>>
    %dma_start3A_108 = tpu.memref_squeeze %dma_start3A_107 : memref<1x128xi32, #tpu.memory_space<vmem>> -> memref<128xi32, #tpu.memory_space<vmem>>
    %dma_start3A_109 = arith.constant 0 : i32
    %dma_start3A_110 = arith.constant 0 : i32
    %dma_start3A_111 = tpu.memref_slice %arg3[%dma_start3A_109, %dma_start3A_110] : memref<1002000x64xbf16, #tpu.memory_space<hbm>> -> memref<1002000x64xbf16, #tpu.memory_space<hbm>>
    %dma_start3A_112 = tpu.memref_slice %arg7[%dma_start3A_101] : memref<2x!tpu.dma_semaphore, #tpu.memory_space<semaphore_mem>> -> memref<1x!tpu.dma_semaphore, #tpu.memory_space<semaphore_mem>>
    %dma_start3A_113 = tpu.memref_squeeze %dma_start3A_112 : memref<1x!tpu.dma_semaphore, #tpu.memory_space<semaphore_mem>> -> memref<!tpu.dma_semaphore, #tpu.memory_space<semaphore_mem>>
    tpu.enqueue_indirect_dma source(%dma_start3A_111 : memref<1002000x64xbf16, #tpu.memory_space<hbm>>) target(%dma_start3A_105 : memref<128x64xbf16, #tpu.memory_space<vmem>>) offsets(%dma_start3A_108 : memref<128xi32, #tpu.memory_space<vmem>>) semaphore(%dma_start3A_113 : memref<!tpu.dma_semaphore, #tpu.memory_space<semaphore_mem>>)
    %dma_start3A_114 = arith.constant 7 : i32
    %dma_start3A_115 = arith.constant 1 : i32
    %dma_start3A_116 = arith.constant 1 : i32
    %dma_start3A_117 = arith.constant 1 : i32
    %dma_start3A_118 = arith.constant 128 : i32
    %dma_start3A_119 = arith.constant 0 : i32
    %dma_start3A_120 = tpu.memref_slice %arg6[%dma_start3A_115, %dma_start3A_116, %dma_start3A_118, %dma_start3A_119] : memref<2x2x256x64xbf16, #tpu.memory_space<vmem>> -> memref<1x1x128x64xbf16, #tpu.memory_space<vmem>>
    %dma_start3A_121 = tpu.memref_squeeze %dma_start3A_120 : memref<1x1x128x64xbf16, #tpu.memory_space<vmem>> -> memref<128x64xbf16, #tpu.memory_space<vmem>>
    %dma_start3A_122 = arith.constant 0 : i32
    %dma_start3A_123 = tpu.memref_slice %arg5[%dma_start3A_114, %dma_start3A_122] : memref<200x128xi32, #tpu.memory_space<vmem>> -> memref<1x128xi32, #tpu.memory_space<vmem>>
    %dma_start3A_124 = tpu.memref_squeeze %dma_start3A_123 : memref<1x128xi32, #tpu.memory_space<vmem>> -> memref<128xi32, #tpu.memory_space<vmem>>
    %dma_start3A_125 = arith.constant 0 : i32
    %dma_start3A_126 = arith.constant 0 : i32
    %dma_start3A_127 = tpu.memref_slice %arg3[%dma_start3A_125, %dma_start3A_126] : memref<1002000x64xbf16, #tpu.memory_space<hbm>> -> memref<1002000x64xbf16, #tpu.memory_space<hbm>>
    %dma_start3A_128 = tpu.memref_slice %arg7[%dma_start3A_117] : memref<2x!tpu.dma_semaphore, #tpu.memory_space<semaphore_mem>> -> memref<1x!tpu.dma_semaphore, #tpu.memory_space<semaphore_mem>>
    %dma_start3A_129 = tpu.memref_squeeze %dma_start3A_128 : memref<1x!tpu.dma_semaphore, #tpu.memory_space<semaphore_mem>> -> memref<!tpu.dma_semaphore, #tpu.memory_space<semaphore_mem>>
    tpu.enqueue_indirect_dma source(%dma_start3A_127 : memref<1002000x64xbf16, #tpu.memory_space<hbm>>) target(%dma_start3A_121 : memref<128x64xbf16, #tpu.memory_space<vmem>>) offsets(%dma_start3A_124 : memref<128xi32, #tpu.memory_space<vmem>>) semaphore(%dma_start3A_129 : memref<!tpu.dma_semaphore, #tpu.memory_space<semaphore_mem>>)
    %scan3A = arith.constant 0 : i32
    %scan3A_130 = arith.constant 0 : i32
    %scan3A_131 = arith.constant 24 : i32
    %scan3A_132 = arith.addi %scan3A_130, %scan3A_131 : i32
    %scan3A_133 = arith.constant 1 : i32
    %scan3A_134 = scf.for %scan3A_226 = %scan3A_130 to %scan3A_132 step %scan3A_133 iter_args(%scan3A_227 = %scan3A) -> (i32)  : i32 {
      %mul3A_228 = arith.constant 2 : i32
      %mul3A_229 = arith.muli %scan3A_226, %mul3A_228 : i32
      %add3A_230 = arith.constant 0 : i32
      %add3A_231 = arith.addi %mul3A_229, %add3A_230 : i32
      %dma_wait3A_232 = arith.constant 0 : i32
      %dma_wait3A_233 = arith.constant 0 : i32
      %dma_wait3A_234 = arith.constant 0 : i32
      %dma_wait3A_235 = arith.constant 0 : i32
      %dma_wait3A_236 = arith.constant 0 : i32
      %dma_wait3A_237 = tpu.memref_slice %arg6[%dma_wait3A_232, %dma_wait3A_233, %dma_wait3A_235, %dma_wait3A_236] : memref<2x2x256x64xbf16, #tpu.memory_space<vmem>> -> memref<1x1x256x64xbf16, #tpu.memory_space<vmem>>
      %dma_wait3A_238 = tpu.memref_squeeze %dma_wait3A_237 : memref<1x1x256x64xbf16, #tpu.memory_space<vmem>> -> memref<256x64xbf16, #tpu.memory_space<vmem>>
      %dma_wait3A_239 = arith.constant 0 : i32
      %dma_wait3A_240 = arith.constant 0 : i32
      %dma_wait3A_241 = tpu.memref_slice %arg4[%dma_wait3A_239, %dma_wait3A_240] : memref<409600x128xbf16, #tpu.memory_space<hbm>> -> memref<256x64xbf16, #tpu.memory_space<hbm>>
      %dma_wait3A_242 = tpu.memref_slice %arg7[%dma_wait3A_234] : memref<2x!tpu.dma_semaphore, #tpu.memory_space<semaphore_mem>> -> memref<1x!tpu.dma_semaphore, #tpu.memory_space<semaphore_mem>>
      %dma_wait3A_243 = tpu.memref_squeeze %dma_wait3A_242 : memref<1x!tpu.dma_semaphore, #tpu.memory_space<semaphore_mem>> -> memref<!tpu.dma_semaphore, #tpu.memory_space<semaphore_mem>>
      %dma_wait3A_244 = arith.constant 0 : i32
      %dma_wait3A_245 = arith.constant 0 : i32
      %dma_wait3A_246 = tpu.memref_slice %arg6[%dma_wait3A_232, %dma_wait3A_233, %dma_wait3A_244, %dma_wait3A_245] : memref<2x2x256x64xbf16, #tpu.memory_space<vmem>> -> memref<1x1x256x64xbf16, #tpu.memory_space<vmem>>
      %dma_wait3A_247 = tpu.memref_squeeze %dma_wait3A_246 : memref<1x1x256x64xbf16, #tpu.memory_space<vmem>> -> memref<256x64xbf16, #tpu.memory_space<vmem>>
      %dma_wait3A_248 = arith.constant 0 : i32
      %dma_wait3A_249 = arith.constant 0 : i32
      %dma_wait3A_250 = tpu.memref_slice %arg4[%dma_wait3A_248, %dma_wait3A_249] : memref<409600x128xbf16, #tpu.memory_space<hbm>> -> memref<256x64xbf16, #tpu.memory_space<hbm>>
      tpu.wait_dma2 semaphore(%dma_wait3A_243 : memref<!tpu.dma_semaphore, #tpu.memory_space<semaphore_mem>>) src(%dma_wait3A_250 : memref<256x64xbf16, #tpu.memory_space<hbm>>) dst(%dma_wait3A_247 : memref<256x64xbf16, #tpu.memory_space<vmem>>)
      %dma_wait3A_251 = arith.constant 0 : i32
      %dma_wait3A_252 = arith.constant 1 : i32
      %dma_wait3A_253 = arith.constant 0 : i32
      %dma_wait3A_254 = arith.constant 0 : i32
      %dma_wait3A_255 = arith.constant 0 : i32
      %dma_wait3A_256 = tpu.memref_slice %arg6[%dma_wait3A_251, %dma_wait3A_252, %dma_wait3A_254, %dma_wait3A_255] : memref<2x2x256x64xbf16, #tpu.memory_space<vmem>> -> memref<1x1x256x64xbf16, #tpu.memory_space<vmem>>
      %dma_wait3A_257 = tpu.memref_squeeze %dma_wait3A_256 : memref<1x1x256x64xbf16, #tpu.memory_space<vmem>> -> memref<256x64xbf16, #tpu.memory_space<vmem>>
      %dma_wait3A_258 = arith.constant 0 : i32
      %dma_wait3A_259 = arith.constant 0 : i32
      %dma_wait3A_260 = tpu.memref_slice %arg4[%dma_wait3A_258, %dma_wait3A_259] : memref<409600x128xbf16, #tpu.memory_space<hbm>> -> memref<256x64xbf16, #tpu.memory_space<hbm>>
      %dma_wait3A_261 = tpu.memref_slice %arg7[%dma_wait3A_253] : memref<2x!tpu.dma_semaphore, #tpu.memory_space<semaphore_mem>> -> memref<1x!tpu.dma_semaphore, #tpu.memory_space<semaphore_mem>>
      %dma_wait3A_262 = tpu.memref_squeeze %dma_wait3A_261 : memref<1x!tpu.dma_semaphore, #tpu.memory_space<semaphore_mem>> -> memref<!tpu.dma_semaphore, #tpu.memory_space<semaphore_mem>>
      %dma_wait3A_263 = arith.constant 0 : i32
      %dma_wait3A_264 = arith.constant 0 : i32
      %dma_wait3A_265 = tpu.memref_slice %arg6[%dma_wait3A_251, %dma_wait3A_252, %dma_wait3A_263, %dma_wait3A_264] : memref<2x2x256x64xbf16, #tpu.memory_space<vmem>> -> memref<1x1x256x64xbf16, #tpu.memory_space<vmem>>
      %dma_wait3A_266 = tpu.memref_squeeze %dma_wait3A_265 : memref<1x1x256x64xbf16, #tpu.memory_space<vmem>> -> memref<256x64xbf16, #tpu.memory_space<vmem>>
      %dma_wait3A_267 = arith.constant 0 : i32
      %dma_wait3A_268 = arith.constant 0 : i32
      %dma_wait3A_269 = tpu.memref_slice %arg4[%dma_wait3A_267, %dma_wait3A_268] : memref<409600x128xbf16, #tpu.memory_space<hbm>> -> memref<256x64xbf16, #tpu.memory_space<hbm>>
      tpu.wait_dma2 semaphore(%dma_wait3A_262 : memref<!tpu.dma_semaphore, #tpu.memory_space<semaphore_mem>>) src(%dma_wait3A_269 : memref<256x64xbf16, #tpu.memory_space<hbm>>) dst(%dma_wait3A_266 : memref<256x64xbf16, #tpu.memory_space<vmem>>)
      %mul3A_270 = arith.constant 256 : i32
      %mul3A_271 = arith.muli %add3A_231, %mul3A_270 : i32
      %add3A_272 = arith.addi %mul3A_2, %mul3A_271 : i32
      %run_scoped3A_273 = arith.constant 0 : i32
      %run_scoped3A_274 = arith.constant 0 : i32
      "tpu.region"() ({
        %run_scoped3A_505 = tpu.sem_alloc : memref<!tpu.dma_semaphore, #tpu.memory_space<semaphore_mem>>
        %dma_start3A_506 = arith.constant 0 : i32
        %dma_start3A_507 = arith.constant 0 : i32
        %dma_start3A_508 = tpu.memref_slice %arg6[%run_scoped3A_273, %run_scoped3A_274, %dma_start3A_506, %dma_start3A_507] : memref<2x2x256x64xbf16, #tpu.memory_space<vmem>> -> memref<1x1x256x64xbf16, #tpu.memory_space<vmem>>
        %dma_start3A_509 = tpu.memref_squeeze %dma_start3A_508 : memref<1x1x256x64xbf16, #tpu.memory_space<vmem>> -> memref<256x64xbf16, #tpu.memory_space<vmem>>
        %dma_start3A_510 = arith.constant 0 : i32
        %dma_start3A_511 = tpu.memref_slice %arg4[%add3A_272, %dma_start3A_510] : memref<409600x128xbf16, #tpu.memory_space<hbm>> -> memref<256x64xbf16, #tpu.memory_space<hbm>>
        %dma_start3A_512 = arith.constant 0 : i32
        %dma_start3A_513 = tpu.memref_slice %arg4[%add3A_272, %dma_start3A_512] : memref<409600x128xbf16, #tpu.memory_space<hbm>> -> memref<256x64xbf16, #tpu.memory_space<hbm>>
        %dma_start3A_514 = arith.constant 0 : i32
        %dma_start3A_515 = arith.constant 0 : i32
        %dma_start3A_516 = tpu.memref_slice %arg6[%run_scoped3A_273, %run_scoped3A_274, %dma_start3A_514, %dma_start3A_515] : memref<2x2x256x64xbf16, #tpu.memory_space<vmem>> -> memref<1x1x256x64xbf16, #tpu.memory_space<vmem>>
        %dma_start3A_517 = tpu.memref_squeeze %dma_start3A_516 : memref<1x1x256x64xbf16, #tpu.memory_space<vmem>> -> memref<256x64xbf16, #tpu.memory_space<vmem>>
        tpu.enqueue_dma source(%dma_start3A_517 : memref<256x64xbf16, #tpu.memory_space<vmem>>) target(%dma_start3A_513 : memref<256x64xbf16, #tpu.memory_space<hbm>>) target_semaphore(%run_scoped3A_505 : memref<!tpu.dma_semaphore, #tpu.memory_space<semaphore_mem>>)
        %dma_wait3A_518 = arith.constant 0 : i32
        %dma_wait3A_519 = arith.constant 0 : i32
        %dma_wait3A_520 = tpu.memref_slice %arg6[%run_scoped3A_273, %run_scoped3A_274, %dma_wait3A_518, %dma_wait3A_519] : memref<2x2x256x64xbf16, #tpu.memory_space<vmem>> -> memref<1x1x256x64xbf16, #tpu.memory_space<vmem>>
        %dma_wait3A_521 = tpu.memref_squeeze %dma_wait3A_520 : memref<1x1x256x64xbf16, #tpu.memory_space<vmem>> -> memref<256x64xbf16, #tpu.memory_space<vmem>>
        %dma_wait3A_522 = arith.constant 0 : i32
        %dma_wait3A_523 = tpu.memref_slice %arg4[%add3A_272, %dma_wait3A_522] : memref<409600x128xbf16, #tpu.memory_space<hbm>> -> memref<256x64xbf16, #tpu.memory_space<hbm>>
        %dma_wait3A_524 = arith.constant 0 : i32
        %dma_wait3A_525 = tpu.memref_slice %arg4[%add3A_272, %dma_wait3A_524] : memref<409600x128xbf16, #tpu.memory_space<hbm>> -> memref<256x64xbf16, #tpu.memory_space<hbm>>
        %dma_wait3A_526 = arith.constant 0 : i32
        %dma_wait3A_527 = arith.constant 0 : i32
        %dma_wait3A_528 = tpu.memref_slice %arg6[%run_scoped3A_273, %run_scoped3A_274, %dma_wait3A_526, %dma_wait3A_527] : memref<2x2x256x64xbf16, #tpu.memory_space<vmem>> -> memref<1x1x256x64xbf16, #tpu.memory_space<vmem>>
        %dma_wait3A_529 = tpu.memref_squeeze %dma_wait3A_528 : memref<1x1x256x64xbf16, #tpu.memory_space<vmem>> -> memref<256x64xbf16, #tpu.memory_space<vmem>>
        tpu.wait_dma2 semaphore(%run_scoped3A_505 : memref<!tpu.dma_semaphore, #tpu.memory_space<semaphore_mem>>) src(%dma_wait3A_529 : memref<256x64xbf16, #tpu.memory_space<vmem>>) dst(%dma_wait3A_525 : memref<256x64xbf16, #tpu.memory_space<hbm>>)
        tpu.yield
      }) : () -> ()
      %mul3A_275 = arith.constant 256 : i32
      %mul3A_276 = arith.muli %add3A_231, %mul3A_275 : i32
      %add3A_277 = arith.addi %mul3A_2, %mul3A_276 : i32
      %run_scoped3A_278 = arith.constant 0 : i32
      %run_scoped3A_279 = arith.constant 1 : i32
      "tpu.region"() ({
        %run_scoped3A_505 = tpu.sem_alloc : memref<!tpu.dma_semaphore, #tpu.memory_space<semaphore_mem>>
        %dma_start3A_506 = arith.constant 0 : i32
        %dma_start3A_507 = arith.constant 0 : i32
        %dma_start3A_508 = tpu.memref_slice %arg6[%run_scoped3A_278, %run_scoped3A_279, %dma_start3A_506, %dma_start3A_507] : memref<2x2x256x64xbf16, #tpu.memory_space<vmem>> -> memref<1x1x256x64xbf16, #tpu.memory_space<vmem>>
        %dma_start3A_509 = tpu.memref_squeeze %dma_start3A_508 : memref<1x1x256x64xbf16, #tpu.memory_space<vmem>> -> memref<256x64xbf16, #tpu.memory_space<vmem>>
        %dma_start3A_510 = arith.constant 64 : i32
        %dma_start3A_511 = tpu.memref_slice %arg4[%add3A_277, %dma_start3A_510] : memref<409600x128xbf16, #tpu.memory_space<hbm>> -> memref<256x64xbf16, #tpu.memory_space<hbm>>
        %dma_start3A_512 = arith.constant 64 : i32
        %dma_start3A_513 = tpu.memref_slice %arg4[%add3A_277, %dma_start3A_512] : memref<409600x128xbf16, #tpu.memory_space<hbm>> -> memref<256x64xbf16, #tpu.memory_space<hbm>>
        %dma_start3A_514 = arith.constant 0 : i32
        %dma_start3A_515 = arith.constant 0 : i32
        %dma_start3A_516 = tpu.memref_slice %arg6[%run_scoped3A_278, %run_scoped3A_279, %dma_start3A_514, %dma_start3A_515] : memref<2x2x256x64xbf16, #tpu.memory_space<vmem>> -> memref<1x1x256x64xbf16, #tpu.memory_space<vmem>>
        %dma_start3A_517 = tpu.memref_squeeze %dma_start3A_516 : memref<1x1x256x64xbf16, #tpu.memory_space<vmem>> -> memref<256x64xbf16, #tpu.memory_space<vmem>>
        tpu.enqueue_dma source(%dma_start3A_517 : memref<256x64xbf16, #tpu.memory_space<vmem>>) target(%dma_start3A_513 : memref<256x64xbf16, #tpu.memory_space<hbm>>) target_semaphore(%run_scoped3A_505 : memref<!tpu.dma_semaphore, #tpu.memory_space<semaphore_mem>>)
        %dma_wait3A_518 = arith.constant 0 : i32
        %dma_wait3A_519 = arith.constant 0 : i32
        %dma_wait3A_520 = tpu.memref_slice %arg6[%run_scoped3A_278, %run_scoped3A_279, %dma_wait3A_518, %dma_wait3A_519] : memref<2x2x256x64xbf16, #tpu.memory_space<vmem>> -> memref<1x1x256x64xbf16, #tpu.memory_space<vmem>>
        %dma_wait3A_521 = tpu.memref_squeeze %dma_wait3A_520 : memref<1x1x256x64xbf16, #tpu.memory_space<vmem>> -> memref<256x64xbf16, #tpu.memory_space<vmem>>
        %dma_wait3A_522 = arith.constant 64 : i32
        %dma_wait3A_523 = tpu.memref_slice %arg4[%add3A_277, %dma_wait3A_522] : memref<409600x128xbf16, #tpu.memory_space<hbm>> -> memref<256x64xbf16, #tpu.memory_space<hbm>>
        %dma_wait3A_524 = arith.constant 64 : i32
        %dma_wait3A_525 = tpu.memref_slice %arg4[%add3A_277, %dma_wait3A_524] : memref<409600x128xbf16, #tpu.memory_space<hbm>> -> memref<256x64xbf16, #tpu.memory_space<hbm>>
        %dma_wait3A_526 = arith.constant 0 : i32
        %dma_wait3A_527 = arith.constant 0 : i32
        %dma_wait3A_528 = tpu.memref_slice %arg6[%run_scoped3A_278, %run_scoped3A_279, %dma_wait3A_526, %dma_wait3A_527] : memref<2x2x256x64xbf16, #tpu.memory_space<vmem>> -> memref<1x1x256x64xbf16, #tpu.memory_space<vmem>>
        %dma_wait3A_529 = tpu.memref_squeeze %dma_wait3A_528 : memref<1x1x256x64xbf16, #tpu.memory_space<vmem>> -> memref<256x64xbf16, #tpu.memory_space<vmem>>
        tpu.wait_dma2 semaphore(%run_scoped3A_505 : memref<!tpu.dma_semaphore, #tpu.memory_space<semaphore_mem>>) src(%dma_wait3A_529 : memref<256x64xbf16, #tpu.memory_space<vmem>>) dst(%dma_wait3A_525 : memref<256x64xbf16, #tpu.memory_space<hbm>>)
        tpu.yield
      }) : () -> ()
      %add3A_280 = arith.constant 2 : i32
      %add3A_281 = arith.addi %add3A_231, %add3A_280 : i32
      %mul3A_282 = arith.constant 4 : i32
      %mul3A_283 = arith.muli %add3A_281, %mul3A_282 : i32
      %add3A_284 = arith.constant 0 : i32
      %add3A_285 = arith.addi %mul3A_283, %add3A_284 : i32
      %add3A_286 = arith.constant 0 : i32
      %add3A_287 = arith.addi %add3A_285, %add3A_286 : i32
      %dma_start3A_288 = arith.constant 0 : i32
      %dma_start3A_289 = arith.constant 0 : i32
      %dma_start3A_290 = arith.constant 0 : i32
      %dma_start3A_291 = arith.constant 0 : i32
      %dma_start3A_292 = arith.constant 0 : i32
      %dma_start3A_293 = tpu.memref_slice %arg6[%dma_start3A_288, %dma_start3A_289, %dma_start3A_291, %dma_start3A_292] : memref<2x2x256x64xbf16, #tpu.memory_space<vmem>> -> memref<1x1x128x64xbf16, #tpu.memory_space<vmem>>
      %dma_start3A_294 = tpu.memref_squeeze %dma_start3A_293 : memref<1x1x128x64xbf16, #tpu.memory_space<vmem>> -> memref<128x64xbf16, #tpu.memory_space<vmem>>
      %dma_start3A_295 = arith.constant 0 : i32
      %dma_start3A_296 = tpu.memref_slice %arg5[%add3A_287, %dma_start3A_295] : memref<200x128xi32, #tpu.memory_space<vmem>> -> memref<1x128xi32, #tpu.memory_space<vmem>>
      %dma_start3A_297 = tpu.memref_squeeze %dma_start3A_296 : memref<1x128xi32, #tpu.memory_space<vmem>> -> memref<128xi32, #tpu.memory_space<vmem>>
      %dma_start3A_298 = arith.constant 0 : i32
      %dma_start3A_299 = arith.constant 0 : i32
      %dma_start3A_300 = tpu.memref_slice %arg3[%dma_start3A_298, %dma_start3A_299] : memref<1002000x64xbf16, #tpu.memory_space<hbm>> -> memref<1002000x64xbf16, #tpu.memory_space<hbm>>
      %dma_start3A_301 = tpu.memref_slice %arg7[%dma_start3A_290] : memref<2x!tpu.dma_semaphore, #tpu.memory_space<semaphore_mem>> -> memref<1x!tpu.dma_semaphore, #tpu.memory_space<semaphore_mem>>
      %dma_start3A_302 = tpu.memref_squeeze %dma_start3A_301 : memref<1x!tpu.dma_semaphore, #tpu.memory_space<semaphore_mem>> -> memref<!tpu.dma_semaphore, #tpu.memory_space<semaphore_mem>>
      tpu.enqueue_indirect_dma source(%dma_start3A_300 : memref<1002000x64xbf16, #tpu.memory_space<hbm>>) target(%dma_start3A_294 : memref<128x64xbf16, #tpu.memory_space<vmem>>) offsets(%dma_start3A_297 : memref<128xi32, #tpu.memory_space<vmem>>) semaphore(%dma_start3A_302 : memref<!tpu.dma_semaphore, #tpu.memory_space<semaphore_mem>>)
      %mul3A_303 = arith.constant 4 : i32
      %mul3A_304 = arith.muli %add3A_281, %mul3A_303 : i32
      %add3A_305 = arith.constant 0 : i32
      %add3A_306 = arith.addi %mul3A_304, %add3A_305 : i32
      %add3A_307 = arith.constant 1 : i32
      %add3A_308 = arith.addi %add3A_306, %add3A_307 : i32
      %dma_start3A_309 = arith.constant 0 : i32
      %dma_start3A_310 = arith.constant 0 : i32
      %dma_start3A_311 = arith.constant 0 : i32
      %dma_start3A_312 = arith.constant 128 : i32
      %dma_start3A_313 = arith.constant 0 : i32
      %dma_start3A_314 = tpu.memref_slice %arg6[%dma_start3A_309, %dma_start3A_310, %dma_start3A_312, %dma_start3A_313] : memref<2x2x256x64xbf16, #tpu.memory_space<vmem>> -> memref<1x1x128x64xbf16, #tpu.memory_space<vmem>>
      %dma_start3A_315 = tpu.memref_squeeze %dma_start3A_314 : memref<1x1x128x64xbf16, #tpu.memory_space<vmem>> -> memref<128x64xbf16, #tpu.memory_space<vmem>>
      %dma_start3A_316 = arith.constant 0 : i32
      %dma_start3A_317 = tpu.memref_slice %arg5[%add3A_308, %dma_start3A_316] : memref<200x128xi32, #tpu.memory_space<vmem>> -> memref<1x128xi32, #tpu.memory_space<vmem>>
      %dma_start3A_318 = tpu.memref_squeeze %dma_start3A_317 : memref<1x128xi32, #tpu.memory_space<vmem>> -> memref<128xi32, #tpu.memory_space<vmem>>
      %dma_start3A_319 = arith.constant 0 : i32
      %dma_start3A_320 = arith.constant 0 : i32
      %dma_start3A_321 = tpu.memref_slice %arg3[%dma_start3A_319, %dma_start3A_320] : memref<1002000x64xbf16, #tpu.memory_space<hbm>> -> memref<1002000x64xbf16, #tpu.memory_space<hbm>>
      %dma_start3A_322 = tpu.memref_slice %arg7[%dma_start3A_311] : memref<2x!tpu.dma_semaphore, #tpu.memory_space<semaphore_mem>> -> memref<1x!tpu.dma_semaphore, #tpu.memory_space<semaphore_mem>>
      %dma_start3A_323 = tpu.memref_squeeze %dma_start3A_322 : memref<1x!tpu.dma_semaphore, #tpu.memory_space<semaphore_mem>> -> memref<!tpu.dma_semaphore, #tpu.memory_space<semaphore_mem>>
      tpu.enqueue_indirect_dma source(%dma_start3A_321 : memref<1002000x64xbf16, #tpu.memory_space<hbm>>) target(%dma_start3A_315 : memref<128x64xbf16, #tpu.memory_space<vmem>>) offsets(%dma_start3A_318 : memref<128xi32, #tpu.memory_space<vmem>>) semaphore(%dma_start3A_323 : memref<!tpu.dma_semaphore, #tpu.memory_space<semaphore_mem>>)
      %mul3A_324 = arith.constant 4 : i32
      %mul3A_325 = arith.muli %add3A_281, %mul3A_324 : i32
      %add3A_326 = arith.constant 2 : i32
      %add3A_327 = arith.addi %mul3A_325, %add3A_326 : i32
      %add3A_328 = arith.constant 0 : i32
      %add3A_329 = arith.addi %add3A_327, %add3A_328 : i32
      %dma_start3A_330 = arith.constant 0 : i32
      %dma_start3A_331 = arith.constant 1 : i32
      %dma_start3A_332 = arith.constant 0 : i32
      %dma_start3A_333 = arith.constant 0 : i32
      %dma_start3A_334 = arith.constant 0 : i32
      %dma_start3A_335 = tpu.memref_slice %arg6[%dma_start3A_330, %dma_start3A_331, %dma_start3A_333, %dma_start3A_334] : memref<2x2x256x64xbf16, #tpu.memory_space<vmem>> -> memref<1x1x128x64xbf16, #tpu.memory_space<vmem>>
      %dma_start3A_336 = tpu.memref_squeeze %dma_start3A_335 : memref<1x1x128x64xbf16, #tpu.memory_space<vmem>> -> memref<128x64xbf16, #tpu.memory_space<vmem>>
      %dma_start3A_337 = arith.constant 0 : i32
      %dma_start3A_338 = tpu.memref_slice %arg5[%add3A_329, %dma_start3A_337] : memref<200x128xi32, #tpu.memory_space<vmem>> -> memref<1x128xi32, #tpu.memory_space<vmem>>
      %dma_start3A_339 = tpu.memref_squeeze %dma_start3A_338 : memref<1x128xi32, #tpu.memory_space<vmem>> -> memref<128xi32, #tpu.memory_space<vmem>>
      %dma_start3A_340 = arith.constant 0 : i32
      %dma_start3A_341 = arith.constant 0 : i32
      %dma_start3A_342 = tpu.memref_slice %arg3[%dma_start3A_340, %dma_start3A_341] : memref<1002000x64xbf16, #tpu.memory_space<hbm>> -> memref<1002000x64xbf16, #tpu.memory_space<hbm>>
      %dma_start3A_343 = tpu.memref_slice %arg7[%dma_start3A_332] : memref<2x!tpu.dma_semaphore, #tpu.memory_space<semaphore_mem>> -> memref<1x!tpu.dma_semaphore, #tpu.memory_space<semaphore_mem>>
      %dma_start3A_344 = tpu.memref_squeeze %dma_start3A_343 : memref<1x!tpu.dma_semaphore, #tpu.memory_space<semaphore_mem>> -> memref<!tpu.dma_semaphore, #tpu.memory_space<semaphore_mem>>
      tpu.enqueue_indirect_dma source(%dma_start3A_342 : memref<1002000x64xbf16, #tpu.memory_space<hbm>>) target(%dma_start3A_336 : memref<128x64xbf16, #tpu.memory_space<vmem>>) offsets(%dma_start3A_339 : memref<128xi32, #tpu.memory_space<vmem>>) semaphore(%dma_start3A_344 : memref<!tpu.dma_semaphore, #tpu.memory_space<semaphore_mem>>)
      %mul3A_345 = arith.constant 4 : i32
      %mul3A_346 = arith.muli %add3A_281, %mul3A_345 : i32
      %add3A_347 = arith.constant 2 : i32
      %add3A_348 = arith.addi %mul3A_346, %add3A_347 : i32
      %add3A_349 = arith.constant 1 : i32
      %add3A_350 = arith.addi %add3A_348, %add3A_349 : i32
      %dma_start3A_351 = arith.constant 0 : i32
      %dma_start3A_352 = arith.constant 1 : i32
      %dma_start3A_353 = arith.constant 0 : i32
      %dma_start3A_354 = arith.constant 128 : i32
      %dma_start3A_355 = arith.constant 0 : i32
      %dma_start3A_356 = tpu.memref_slice %arg6[%dma_start3A_351, %dma_start3A_352, %dma_start3A_354, %dma_start3A_355] : memref<2x2x256x64xbf16, #tpu.memory_space<vmem>> -> memref<1x1x128x64xbf16, #tpu.memory_space<vmem>>
      %dma_start3A_357 = tpu.memref_squeeze %dma_start3A_356 : memref<1x1x128x64xbf16, #tpu.memory_space<vmem>> -> memref<128x64xbf16, #tpu.memory_space<vmem>>
      %dma_start3A_358 = arith.constant 0 : i32
      %dma_start3A_359 = tpu.memref_slice %arg5[%add3A_350, %dma_start3A_358] : memref<200x128xi32, #tpu.memory_space<vmem>> -> memref<1x128xi32, #tpu.memory_space<vmem>>
      %dma_start3A_360 = tpu.memref_squeeze %dma_start3A_359 : memref<1x128xi32, #tpu.memory_space<vmem>> -> memref<128xi32, #tpu.memory_space<vmem>>
      %dma_start3A_361 = arith.constant 0 : i32
      %dma_start3A_362 = arith.constant 0 : i32
      %dma_start3A_363 = tpu.memref_slice %arg3[%dma_start3A_361, %dma_start3A_362] : memref<1002000x64xbf16, #tpu.memory_space<hbm>> -> memref<1002000x64xbf16, #tpu.memory_space<hbm>>
      %dma_start3A_364 = tpu.memref_slice %arg7[%dma_start3A_353] : memref<2x!tpu.dma_semaphore, #tpu.memory_space<semaphore_mem>> -> memref<1x!tpu.dma_semaphore, #tpu.memory_space<semaphore_mem>>
      %dma_start3A_365 = tpu.memref_squeeze %dma_start3A_364 : memref<1x!tpu.dma_semaphore, #tpu.memory_space<semaphore_mem>> -> memref<!tpu.dma_semaphore, #tpu.memory_space<semaphore_mem>>
      tpu.enqueue_indirect_dma source(%dma_start3A_363 : memref<1002000x64xbf16, #tpu.memory_space<hbm>>) target(%dma_start3A_357 : memref<128x64xbf16, #tpu.memory_space<vmem>>) offsets(%dma_start3A_360 : memref<128xi32, #tpu.memory_space<vmem>>) semaphore(%dma_start3A_365 : memref<!tpu.dma_semaphore, #tpu.memory_space<semaphore_mem>>)
      %mul3A_366 = arith.constant 2 : i32
      %mul3A_367 = arith.muli %scan3A_226, %mul3A_366 : i32
      %add3A_368 = arith.constant 1 : i32
      %add3A_369 = arith.addi %mul3A_367, %add3A_368 : i32
      %dma_wait3A_370 = arith.constant 1 : i32
      %dma_wait3A_371 = arith.constant 0 : i32
      %dma_wait3A_372 = arith.constant 1 : i32
      %dma_wait3A_373 = arith.constant 0 : i32
      %dma_wait3A_374 = arith.constant 0 : i32
      %dma_wait3A_375 = tpu.memref_slice %arg6[%dma_wait3A_370, %dma_wait3A_371, %dma_wait3A_373, %dma_wait3A_374] : memref<2x2x256x64xbf16, #tpu.memory_space<vmem>> -> memref<1x1x256x64xbf16, #tpu.memory_space<vmem>>
      %dma_wait3A_376 = tpu.memref_squeeze %dma_wait3A_375 : memref<1x1x256x64xbf16, #tpu.memory_space<vmem>> -> memref<256x64xbf16, #tpu.memory_space<vmem>>
      %dma_wait3A_377 = arith.constant 0 : i32
      %dma_wait3A_378 = arith.constant 0 : i32
      %dma_wait3A_379 = tpu.memref_slice %arg4[%dma_wait3A_377, %dma_wait3A_378] : memref<409600x128xbf16, #tpu.memory_space<hbm>> -> memref<256x64xbf16, #tpu.memory_space<hbm>>
      %dma_wait3A_380 = tpu.memref_slice %arg7[%dma_wait3A_372] : memref<2x!tpu.dma_semaphore, #tpu.memory_space<semaphore_mem>> -> memref<1x!tpu.dma_semaphore, #tpu.memory_space<semaphore_mem>>
      %dma_wait3A_381 = tpu.memref_squeeze %dma_wait3A_380 : memref<1x!tpu.dma_semaphore, #tpu.memory_space<semaphore_mem>> -> memref<!tpu.dma_semaphore, #tpu.memory_space<semaphore_mem>>
      %dma_wait3A_382 = arith.constant 0 : i32
      %dma_wait3A_383 = arith.constant 0 : i32
      %dma_wait3A_384 = tpu.memref_slice %arg6[%dma_wait3A_370, %dma_wait3A_371, %dma_wait3A_382, %dma_wait3A_383] : memref<2x2x256x64xbf16, #tpu.memory_space<vmem>> -> memref<1x1x256x64xbf16, #tpu.memory_space<vmem>>
      %dma_wait3A_385 = tpu.memref_squeeze %dma_wait3A_384 : memref<1x1x256x64xbf16, #tpu.memory_space<vmem>> -> memref<256x64xbf16, #tpu.memory_space<vmem>>
      %dma_wait3A_386 = arith.constant 0 : i32
      %dma_wait3A_387 = arith.constant 0 : i32
      %dma_wait3A_388 = tpu.memref_slice %arg4[%dma_wait3A_386, %dma_wait3A_387] : memref<409600x128xbf16, #tpu.memory_space<hbm>> -> memref<256x64xbf16, #tpu.memory_space<hbm>>
      tpu.wait_dma2 semaphore(%dma_wait3A_381 : memref<!tpu.dma_semaphore, #tpu.memory_space<semaphore_mem>>) src(%dma_wait3A_388 : memref<256x64xbf16, #tpu.memory_space<hbm>>) dst(%dma_wait3A_385 : memref<256x64xbf16, #tpu.memory_space<vmem>>)
      %dma_wait3A_389 = arith.constant 1 : i32
      %dma_wait3A_390 = arith.constant 1 : i32
      %dma_wait3A_391 = arith.constant 1 : i32
      %dma_wait3A_392 = arith.constant 0 : i32
      %dma_wait3A_393 = arith.constant 0 : i32
      %dma_wait3A_394 = tpu.memref_slice %arg6[%dma_wait3A_389, %dma_wait3A_390, %dma_wait3A_392, %dma_wait3A_393] : memref<2x2x256x64xbf16, #tpu.memory_space<vmem>> -> memref<1x1x256x64xbf16, #tpu.memory_space<vmem>>
      %dma_wait3A_395 = tpu.memref_squeeze %dma_wait3A_394 : memref<1x1x256x64xbf16, #tpu.memory_space<vmem>> -> memref<256x64xbf16, #tpu.memory_space<vmem>>
      %dma_wait3A_396 = arith.constant 0 : i32
      %dma_wait3A_397 = arith.constant 0 : i32
      %dma_wait3A_398 = tpu.memref_slice %arg4[%dma_wait3A_396, %dma_wait3A_397] : memref<409600x128xbf16, #tpu.memory_space<hbm>> -> memref<256x64xbf16, #tpu.memory_space<hbm>>
      %dma_wait3A_399 = tpu.memref_slice %arg7[%dma_wait3A_391] : memref<2x!tpu.dma_semaphore, #tpu.memory_space<semaphore_mem>> -> memref<1x!tpu.dma_semaphore, #tpu.memory_space<semaphore_mem>>
      %dma_wait3A_400 = tpu.memref_squeeze %dma_wait3A_399 : memref<1x!tpu.dma_semaphore, #tpu.memory_space<semaphore_mem>> -> memref<!tpu.dma_semaphore, #tpu.memory_space<semaphore_mem>>
      %dma_wait3A_401 = arith.constant 0 : i32
      %dma_wait3A_402 = arith.constant 0 : i32
      %dma_wait3A_403 = tpu.memref_slice %arg6[%dma_wait3A_389, %dma_wait3A_390, %dma_wait3A_401, %dma_wait3A_402] : memref<2x2x256x64xbf16, #tpu.memory_space<vmem>> -> memref<1x1x256x64xbf16, #tpu.memory_space<vmem>>
      %dma_wait3A_404 = tpu.memref_squeeze %dma_wait3A_403 : memref<1x1x256x64xbf16, #tpu.memory_space<vmem>> -> memref<256x64xbf16, #tpu.memory_space<vmem>>
      %dma_wait3A_405 = arith.constant 0 : i32
      %dma_wait3A_406 = arith.constant 0 : i32
      %dma_wait3A_407 = tpu.memref_slice %arg4[%dma_wait3A_405, %dma_wait3A_406] : memref<409600x128xbf16, #tpu.memory_space<hbm>> -> memref<256x64xbf16, #tpu.memory_space<hbm>>
      tpu.wait_dma2 semaphore(%dma_wait3A_400 : memref<!tpu.dma_semaphore, #tpu.memory_space<semaphore_mem>>) src(%dma_wait3A_407 : memref<256x64xbf16, #tpu.memory_space<hbm>>) dst(%dma_wait3A_404 : memref<256x64xbf16, #tpu.memory_space<vmem>>)
      %mul3A_408 = arith.constant 256 : i32
      %mul3A_409 = arith.muli %add3A_369, %mul3A_408 : i32
      %add3A_410 = arith.addi %mul3A_2, %mul3A_409 : i32
      %run_scoped3A_411 = arith.constant 1 : i32
      %run_scoped3A_412 = arith.constant 0 : i32
      "tpu.region"() ({
        %run_scoped3A_505 = tpu.sem_alloc : memref<!tpu.dma_semaphore, #tpu.memory_space<semaphore_mem>>
        %dma_start3A_506 = arith.constant 0 : i32
        %dma_start3A_507 = arith.constant 0 : i32
        %dma_start3A_508 = tpu.memref_slice %arg6[%run_scoped3A_411, %run_scoped3A_412, %dma_start3A_506, %dma_start3A_507] : memref<2x2x256x64xbf16, #tpu.memory_space<vmem>> -> memref<1x1x256x64xbf16, #tpu.memory_space<vmem>>
        %dma_start3A_509 = tpu.memref_squeeze %dma_start3A_508 : memref<1x1x256x64xbf16, #tpu.memory_space<vmem>> -> memref<256x64xbf16, #tpu.memory_space<vmem>>
        %dma_start3A_510 = arith.constant 0 : i32
        %dma_start3A_511 = tpu.memref_slice %arg4[%add3A_410, %dma_start3A_510] : memref<409600x128xbf16, #tpu.memory_space<hbm>> -> memref<256x64xbf16, #tpu.memory_space<hbm>>
        %dma_start3A_512 = arith.constant 0 : i32
        %dma_start3A_513 = tpu.memref_slice %arg4[%add3A_410, %dma_start3A_512] : memref<409600x128xbf16, #tpu.memory_space<hbm>> -> memref<256x64xbf16, #tpu.memory_space<hbm>>
        %dma_start3A_514 = arith.constant 0 : i32
        %dma_start3A_515 = arith.constant 0 : i32
        %dma_start3A_516 = tpu.memref_slice %arg6[%run_scoped3A_411, %run_scoped3A_412, %dma_start3A_514, %dma_start3A_515] : memref<2x2x256x64xbf16, #tpu.memory_space<vmem>> -> memref<1x1x256x64xbf16, #tpu.memory_space<vmem>>
        %dma_start3A_517 = tpu.memref_squeeze %dma_start3A_516 : memref<1x1x256x64xbf16, #tpu.memory_space<vmem>> -> memref<256x64xbf16, #tpu.memory_space<vmem>>
        tpu.enqueue_dma source(%dma_start3A_517 : memref<256x64xbf16, #tpu.memory_space<vmem>>) target(%dma_start3A_513 : memref<256x64xbf16, #tpu.memory_space<hbm>>) target_semaphore(%run_scoped3A_505 : memref<!tpu.dma_semaphore, #tpu.memory_space<semaphore_mem>>)
        %dma_wait3A_518 = arith.constant 0 : i32
        %dma_wait3A_519 = arith.constant 0 : i32
        %dma_wait3A_520 = tpu.memref_slice %arg6[%run_scoped3A_411, %run_scoped3A_412, %dma_wait3A_518, %dma_wait3A_519] : memref<2x2x256x64xbf16, #tpu.memory_space<vmem>> -> memref<1x1x256x64xbf16, #tpu.memory_space<vmem>>
        %dma_wait3A_521 = tpu.memref_squeeze %dma_wait3A_520 : memref<1x1x256x64xbf16, #tpu.memory_space<vmem>> -> memref<256x64xbf16, #tpu.memory_space<vmem>>
        %dma_wait3A_522 = arith.constant 0 : i32
        %dma_wait3A_523 = tpu.memref_slice %arg4[%add3A_410, %dma_wait3A_522] : memref<409600x128xbf16, #tpu.memory_space<hbm>> -> memref<256x64xbf16, #tpu.memory_space<hbm>>
        %dma_wait3A_524 = arith.constant 0 : i32
        %dma_wait3A_525 = tpu.memref_slice %arg4[%add3A_410, %dma_wait3A_524] : memref<409600x128xbf16, #tpu.memory_space<hbm>> -> memref<256x64xbf16, #tpu.memory_space<hbm>>
        %dma_wait3A_526 = arith.constant 0 : i32
        %dma_wait3A_527 = arith.constant 0 : i32
        %dma_wait3A_528 = tpu.memref_slice %arg6[%run_scoped3A_411, %run_scoped3A_412, %dma_wait3A_526, %dma_wait3A_527] : memref<2x2x256x64xbf16, #tpu.memory_space<vmem>> -> memref<1x1x256x64xbf16, #tpu.memory_space<vmem>>
        %dma_wait3A_529 = tpu.memref_squeeze %dma_wait3A_528 : memref<1x1x256x64xbf16, #tpu.memory_space<vmem>> -> memref<256x64xbf16, #tpu.memory_space<vmem>>
        tpu.wait_dma2 semaphore(%run_scoped3A_505 : memref<!tpu.dma_semaphore, #tpu.memory_space<semaphore_mem>>) src(%dma_wait3A_529 : memref<256x64xbf16, #tpu.memory_space<vmem>>) dst(%dma_wait3A_525 : memref<256x64xbf16, #tpu.memory_space<hbm>>)
        tpu.yield
      }) : () -> ()
      %mul3A_413 = arith.constant 256 : i32
      %mul3A_414 = arith.muli %add3A_369, %mul3A_413 : i32
      %add3A_415 = arith.addi %mul3A_2, %mul3A_414 : i32
      %run_scoped3A_416 = arith.constant 1 : i32
      %run_scoped3A_417 = arith.constant 1 : i32
      "tpu.region"() ({
        %run_scoped3A_505 = tpu.sem_alloc : memref<!tpu.dma_semaphore, #tpu.memory_space<semaphore_mem>>
        %dma_start3A_506 = arith.constant 0 : i32
        %dma_start3A_507 = arith.constant 0 : i32
        %dma_start3A_508 = tpu.memref_slice %arg6[%run_scoped3A_416, %run_scoped3A_417, %dma_start3A_506, %dma_start3A_507] : memref<2x2x256x64xbf16, #tpu.memory_space<vmem>> -> memref<1x1x256x64xbf16, #tpu.memory_space<vmem>>
        %dma_start3A_509 = tpu.memref_squeeze %dma_start3A_508 : memref<1x1x256x64xbf16, #tpu.memory_space<vmem>> -> memref<256x64xbf16, #tpu.memory_space<vmem>>
        %dma_start3A_510 = arith.constant 64 : i32
        %dma_start3A_511 = tpu.memref_slice %arg4[%add3A_415, %dma_start3A_510] : memref<409600x128xbf16, #tpu.memory_space<hbm>> -> memref<256x64xbf16, #tpu.memory_space<hbm>>
        %dma_start3A_512 = arith.constant 64 : i32
        %dma_start3A_513 = tpu.memref_slice %arg4[%add3A_415, %dma_start3A_512] : memref<409600x128xbf16, #tpu.memory_space<hbm>> -> memref<256x64xbf16, #tpu.memory_space<hbm>>
        %dma_start3A_514 = arith.constant 0 : i32
        %dma_start3A_515 = arith.constant 0 : i32
        %dma_start3A_516 = tpu.memref_slice %arg6[%run_scoped3A_416, %run_scoped3A_417, %dma_start3A_514, %dma_start3A_515] : memref<2x2x256x64xbf16, #tpu.memory_space<vmem>> -> memref<1x1x256x64xbf16, #tpu.memory_space<vmem>>
        %dma_start3A_517 = tpu.memref_squeeze %dma_start3A_516 : memref<1x1x256x64xbf16, #tpu.memory_space<vmem>> -> memref<256x64xbf16, #tpu.memory_space<vmem>>
        tpu.enqueue_dma source(%dma_start3A_517 : memref<256x64xbf16, #tpu.memory_space<vmem>>) target(%dma_start3A_513 : memref<256x64xbf16, #tpu.memory_space<hbm>>) target_semaphore(%run_scoped3A_505 : memref<!tpu.dma_semaphore, #tpu.memory_space<semaphore_mem>>)
        %dma_wait3A_518 = arith.constant 0 : i32
        %dma_wait3A_519 = arith.constant 0 : i32
        %dma_wait3A_520 = tpu.memref_slice %arg6[%run_scoped3A_416, %run_scoped3A_417, %dma_wait3A_518, %dma_wait3A_519] : memref<2x2x256x64xbf16, #tpu.memory_space<vmem>> -> memref<1x1x256x64xbf16, #tpu.memory_space<vmem>>
        %dma_wait3A_521 = tpu.memref_squeeze %dma_wait3A_520 : memref<1x1x256x64xbf16, #tpu.memory_space<vmem>> -> memref<256x64xbf16, #tpu.memory_space<vmem>>
        %dma_wait3A_522 = arith.constant 64 : i32
        %dma_wait3A_523 = tpu.memref_slice %arg4[%add3A_415, %dma_wait3A_522] : memref<409600x128xbf16, #tpu.memory_space<hbm>> -> memref<256x64xbf16, #tpu.memory_space<hbm>>
        %dma_wait3A_524 = arith.constant 64 : i32
        %dma_wait3A_525 = tpu.memref_slice %arg4[%add3A_415, %dma_wait3A_524] : memref<409600x128xbf16, #tpu.memory_space<hbm>> -> memref<256x64xbf16, #tpu.memory_space<hbm>>
        %dma_wait3A_526 = arith.constant 0 : i32
        %dma_wait3A_527 = arith.constant 0 : i32
        %dma_wait3A_528 = tpu.memref_slice %arg6[%run_scoped3A_416, %run_scoped3A_417, %dma_wait3A_526, %dma_wait3A_527] : memref<2x2x256x64xbf16, #tpu.memory_space<vmem>> -> memref<1x1x256x64xbf16, #tpu.memory_space<vmem>>
        %dma_wait3A_529 = tpu.memref_squeeze %dma_wait3A_528 : memref<1x1x256x64xbf16, #tpu.memory_space<vmem>> -> memref<256x64xbf16, #tpu.memory_space<vmem>>
        tpu.wait_dma2 semaphore(%run_scoped3A_505 : memref<!tpu.dma_semaphore, #tpu.memory_space<semaphore_mem>>) src(%dma_wait3A_529 : memref<256x64xbf16, #tpu.memory_space<vmem>>) dst(%dma_wait3A_525 : memref<256x64xbf16, #tpu.memory_space<hbm>>)
        tpu.yield
      }) : () -> ()
      %add3A_418 = arith.constant 2 : i32
      %add3A_419 = arith.addi %add3A_369, %add3A_418 : i32
      %mul3A_420 = arith.constant 4 : i32
      %mul3A_421 = arith.muli %add3A_419, %mul3A_420 : i32
      %add3A_422 = arith.constant 0 : i32
      %add3A_423 = arith.addi %mul3A_421, %add3A_422 : i32
      %add3A_424 = arith.constant 0 : i32
      %add3A_425 = arith.addi %add3A_423, %add3A_424 : i32
      %dma_start3A_426 = arith.constant 1 : i32
      %dma_start3A_427 = arith.constant 0 : i32
      %dma_start3A_428 = arith.constant 1 : i32
      %dma_start3A_429 = arith.constant 0 : i32
      %dma_start3A_430 = arith.constant 0 : i32
      %dma_start3A_431 = tpu.memref_slice %arg6[%dma_start3A_426, %dma_start3A_427, %dma_start3A_429, %dma_start3A_430] : memref<2x2x256x64xbf16, #tpu.memory_space<vmem>> -> memref<1x1x128x64xbf16, #tpu.memory_space<vmem>>
      %dma_start3A_432 = tpu.memref_squeeze %dma_start3A_431 : memref<1x1x128x64xbf16, #tpu.memory_space<vmem>> -> memref<128x64xbf16, #tpu.memory_space<vmem>>
      %dma_start3A_433 = arith.constant 0 : i32
      %dma_start3A_434 = tpu.memref_slice %arg5[%add3A_425, %dma_start3A_433] : memref<200x128xi32, #tpu.memory_space<vmem>> -> memref<1x128xi32, #tpu.memory_space<vmem>>
      %dma_start3A_435 = tpu.memref_squeeze %dma_start3A_434 : memref<1x128xi32, #tpu.memory_space<vmem>> -> memref<128xi32, #tpu.memory_space<vmem>>
      %dma_start3A_436 = arith.constant 0 : i32
      %dma_start3A_437 = arith.constant 0 : i32
      %dma_start3A_438 = tpu.memref_slice %arg3[%dma_start3A_436, %dma_start3A_437] : memref<1002000x64xbf16, #tpu.memory_space<hbm>> -> memref<1002000x64xbf16, #tpu.memory_space<hbm>>
      %dma_start3A_439 = tpu.memref_slice %arg7[%dma_start3A_428] : memref<2x!tpu.dma_semaphore, #tpu.memory_space<semaphore_mem>> -> memref<1x!tpu.dma_semaphore, #tpu.memory_space<semaphore_mem>>
      %dma_start3A_440 = tpu.memref_squeeze %dma_start3A_439 : memref<1x!tpu.dma_semaphore, #tpu.memory_space<semaphore_mem>> -> memref<!tpu.dma_semaphore, #tpu.memory_space<semaphore_mem>>
      tpu.enqueue_indirect_dma source(%dma_start3A_438 : memref<1002000x64xbf16, #tpu.memory_space<hbm>>) target(%dma_start3A_432 : memref<128x64xbf16, #tpu.memory_space<vmem>>) offsets(%dma_start3A_435 : memref<128xi32, #tpu.memory_space<vmem>>) semaphore(%dma_start3A_440 : memref<!tpu.dma_semaphore, #tpu.memory_space<semaphore_mem>>)
      %mul3A_441 = arith.constant 4 : i32
      %mul3A_442 = arith.muli %add3A_419, %mul3A_441 : i32
      %add3A_443 = arith.constant 0 : i32
      %add3A_444 = arith.addi %mul3A_442, %add3A_443 : i32
      %add3A_445 = arith.constant 1 : i32
      %add3A_446 = arith.addi %add3A_444, %add3A_445 : i32
      %dma_start3A_447 = arith.constant 1 : i32
      %dma_start3A_448 = arith.constant 0 : i32
      %dma_start3A_449 = arith.constant 1 : i32
      %dma_start3A_450 = arith.constant 128 : i32
      %dma_start3A_451 = arith.constant 0 : i32
      %dma_start3A_452 = tpu.memref_slice %arg6[%dma_start3A_447, %dma_start3A_448, %dma_start3A_450, %dma_start3A_451] : memref<2x2x256x64xbf16, #tpu.memory_space<vmem>> -> memref<1x1x128x64xbf16, #tpu.memory_space<vmem>>
      %dma_start3A_453 = tpu.memref_squeeze %dma_start3A_452 : memref<1x1x128x64xbf16, #tpu.memory_space<vmem>> -> memref<128x64xbf16, #tpu.memory_space<vmem>>
      %dma_start3A_454 = arith.constant 0 : i32
      %dma_start3A_455 = tpu.memref_slice %arg5[%add3A_446, %dma_start3A_454] : memref<200x128xi32, #tpu.memory_space<vmem>> -> memref<1x128xi32, #tpu.memory_space<vmem>>
      %dma_start3A_456 = tpu.memref_squeeze %dma_start3A_455 : memref<1x128xi32, #tpu.memory_space<vmem>> -> memref<128xi32, #tpu.memory_space<vmem>>
      %dma_start3A_457 = arith.constant 0 : i32
      %dma_start3A_458 = arith.constant 0 : i32
      %dma_start3A_459 = tpu.memref_slice %arg3[%dma_start3A_457, %dma_start3A_458] : memref<1002000x64xbf16, #tpu.memory_space<hbm>> -> memref<1002000x64xbf16, #tpu.memory_space<hbm>>
      %dma_start3A_460 = tpu.memref_slice %arg7[%dma_start3A_449] : memref<2x!tpu.dma_semaphore, #tpu.memory_space<semaphore_mem>> -> memref<1x!tpu.dma_semaphore, #tpu.memory_space<semaphore_mem>>
      %dma_start3A_461 = tpu.memref_squeeze %dma_start3A_460 : memref<1x!tpu.dma_semaphore, #tpu.memory_space<semaphore_mem>> -> memref<!tpu.dma_semaphore, #tpu.memory_space<semaphore_mem>>
      tpu.enqueue_indirect_dma source(%dma_start3A_459 : memref<1002000x64xbf16, #tpu.memory_space<hbm>>) target(%dma_start3A_453 : memref<128x64xbf16, #tpu.memory_space<vmem>>) offsets(%dma_start3A_456 : memref<128xi32, #tpu.memory_space<vmem>>) semaphore(%dma_start3A_461 : memref<!tpu.dma_semaphore, #tpu.memory_space<semaphore_mem>>)
      %mul3A_462 = arith.constant 4 : i32
      %mul3A_463 = arith.muli %add3A_419, %mul3A_462 : i32
      %add3A_464 = arith.constant 2 : i32
      %add3A_465 = arith.addi %mul3A_463, %add3A_464 : i32
      %add3A_466 = arith.constant 0 : i32
      %add3A_467 = arith.addi %add3A_465, %add3A_466 : i32
      %dma_start3A_468 = arith.constant 1 : i32
      %dma_start3A_469 = arith.constant 1 : i32
      %dma_start3A_470 = arith.constant 1 : i32
      %dma_start3A_471 = arith.constant 0 : i32
      %dma_start3A_472 = arith.constant 0 : i32
      %dma_start3A_473 = tpu.memref_slice %arg6[%dma_start3A_468, %dma_start3A_469, %dma_start3A_471, %dma_start3A_472] : memref<2x2x256x64xbf16, #tpu.memory_space<vmem>> -> memref<1x1x128x64xbf16, #tpu.memory_space<vmem>>
      %dma_start3A_474 = tpu.memref_squeeze %dma_start3A_473 : memref<1x1x128x64xbf16, #tpu.memory_space<vmem>> -> memref<128x64xbf16, #tpu.memory_space<vmem>>
      %dma_start3A_475 = arith.constant 0 : i32
      %dma_start3A_476 = tpu.memref_slice %arg5[%add3A_467, %dma_start3A_475] : memref<200x128xi32, #tpu.memory_space<vmem>> -> memref<1x128xi32, #tpu.memory_space<vmem>>
      %dma_start3A_477 = tpu.memref_squeeze %dma_start3A_476 : memref<1x128xi32, #tpu.memory_space<vmem>> -> memref<128xi32, #tpu.memory_space<vmem>>
      %dma_start3A_478 = arith.constant 0 : i32
      %dma_start3A_479 = arith.constant 0 : i32
      %dma_start3A_480 = tpu.memref_slice %arg3[%dma_start3A_478, %dma_start3A_479] : memref<1002000x64xbf16, #tpu.memory_space<hbm>> -> memref<1002000x64xbf16, #tpu.memory_space<hbm>>
      %dma_start3A_481 = tpu.memref_slice %arg7[%dma_start3A_470] : memref<2x!tpu.dma_semaphore, #tpu.memory_space<semaphore_mem>> -> memref<1x!tpu.dma_semaphore, #tpu.memory_space<semaphore_mem>>
      %dma_start3A_482 = tpu.memref_squeeze %dma_start3A_481 : memref<1x!tpu.dma_semaphore, #tpu.memory_space<semaphore_mem>> -> memref<!tpu.dma_semaphore, #tpu.memory_space<semaphore_mem>>
      tpu.enqueue_indirect_dma source(%dma_start3A_480 : memref<1002000x64xbf16, #tpu.memory_space<hbm>>) target(%dma_start3A_474 : memref<128x64xbf16, #tpu.memory_space<vmem>>) offsets(%dma_start3A_477 : memref<128xi32, #tpu.memory_space<vmem>>) semaphore(%dma_start3A_482 : memref<!tpu.dma_semaphore, #tpu.memory_space<semaphore_mem>>)
      %mul3A_483 = arith.constant 4 : i32
      %mul3A_484 = arith.muli %add3A_419, %mul3A_483 : i32
      %add3A_485 = arith.constant 2 : i32
      %add3A_486 = arith.addi %mul3A_484, %add3A_485 : i32
      %add3A_487 = arith.constant 1 : i32
      %add3A_488 = arith.addi %add3A_486, %add3A_487 : i32
      %dma_start3A_489 = arith.constant 1 : i32
      %dma_start3A_490 = arith.constant 1 : i32
      %dma_start3A_491 = arith.constant 1 : i32
      %dma_start3A_492 = arith.constant 128 : i32
      %dma_start3A_493 = arith.constant 0 : i32
      %dma_start3A_494 = tpu.memref_slice %arg6[%dma_start3A_489, %dma_start3A_490, %dma_start3A_492, %dma_start3A_493] : memref<2x2x256x64xbf16, #tpu.memory_space<vmem>> -> memref<1x1x128x64xbf16, #tpu.memory_space<vmem>>
      %dma_start3A_495 = tpu.memref_squeeze %dma_start3A_494 : memref<1x1x128x64xbf16, #tpu.memory_space<vmem>> -> memref<128x64xbf16, #tpu.memory_space<vmem>>
      %dma_start3A_496 = arith.constant 0 : i32
      %dma_start3A_497 = tpu.memref_slice %arg5[%add3A_488, %dma_start3A_496] : memref<200x128xi32, #tpu.memory_space<vmem>> -> memref<1x128xi32, #tpu.memory_space<vmem>>
      %dma_start3A_498 = tpu.memref_squeeze %dma_start3A_497 : memref<1x128xi32, #tpu.memory_space<vmem>> -> memref<128xi32, #tpu.memory_space<vmem>>
      %dma_start3A_499 = arith.constant 0 : i32
      %dma_start3A_500 = arith.constant 0 : i32
      %dma_start3A_501 = tpu.memref_slice %arg3[%dma_start3A_499, %dma_start3A_500] : memref<1002000x64xbf16, #tpu.memory_space<hbm>> -> memref<1002000x64xbf16, #tpu.memory_space<hbm>>
      %dma_start3A_502 = tpu.memref_slice %arg7[%dma_start3A_491] : memref<2x!tpu.dma_semaphore, #tpu.memory_space<semaphore_mem>> -> memref<1x!tpu.dma_semaphore, #tpu.memory_space<semaphore_mem>>
      %dma_start3A_503 = tpu.memref_squeeze %dma_start3A_502 : memref<1x!tpu.dma_semaphore, #tpu.memory_space<semaphore_mem>> -> memref<!tpu.dma_semaphore, #tpu.memory_space<semaphore_mem>>
      tpu.enqueue_indirect_dma source(%dma_start3A_501 : memref<1002000x64xbf16, #tpu.memory_space<hbm>>) target(%dma_start3A_495 : memref<128x64xbf16, #tpu.memory_space<vmem>>) offsets(%dma_start3A_498 : memref<128xi32, #tpu.memory_space<vmem>>) semaphore(%dma_start3A_503 : memref<!tpu.dma_semaphore, #tpu.memory_space<semaphore_mem>>)
      %scan3A_504 = arith.constant 0 : i32
      scf.yield %scan3A_504 : i32
    }
    %scan3A_135 = arith.constant 24 : i32
    %dma_wait3A = arith.constant 0 : i32
    %dma_wait3A_136 = arith.constant 0 : i32
    %dma_wait3A_137 = arith.constant 0 : i32
    %dma_wait3A_138 = arith.constant 0 : i32
    %dma_wait3A_139 = arith.constant 0 : i32
    %dma_wait3A_140 = tpu.memref_slice %arg6[%dma_wait3A, %dma_wait3A_136, %dma_wait3A_138, %dma_wait3A_139] : memref<2x2x256x64xbf16, #tpu.memory_space<vmem>> -> memref<1x1x256x64xbf16, #tpu.memory_space<vmem>>
    %dma_wait3A_141 = tpu.memref_squeeze %dma_wait3A_140 : memref<1x1x256x64xbf16, #tpu.memory_space<vmem>> -> memref<256x64xbf16, #tpu.memory_space<vmem>>
    %dma_wait3A_142 = arith.constant 0 : i32
    %dma_wait3A_143 = arith.constant 0 : i32
    %dma_wait3A_144 = tpu.memref_slice %arg4[%dma_wait3A_142, %dma_wait3A_143] : memref<409600x128xbf16, #tpu.memory_space<hbm>> -> memref<256x64xbf16, #tpu.memory_space<hbm>>
    %dma_wait3A_145 = tpu.memref_slice %arg7[%dma_wait3A_137] : memref<2x!tpu.dma_semaphore, #tpu.memory_space<semaphore_mem>> -> memref<1x!tpu.dma_semaphore, #tpu.memory_space<semaphore_mem>>
    %dma_wait3A_146 = tpu.memref_squeeze %dma_wait3A_145 : memref<1x!tpu.dma_semaphore, #tpu.memory_space<semaphore_mem>> -> memref<!tpu.dma_semaphore, #tpu.memory_space<semaphore_mem>>
    %dma_wait3A_147 = arith.constant 0 : i32
    %dma_wait3A_148 = arith.constant 0 : i32
    %dma_wait3A_149 = tpu.memref_slice %arg6[%dma_wait3A, %dma_wait3A_136, %dma_wait3A_147, %dma_wait3A_148] : memref<2x2x256x64xbf16, #tpu.memory_space<vmem>> -> memref<1x1x256x64xbf16, #tpu.memory_space<vmem>>
    %dma_wait3A_150 = tpu.memref_squeeze %dma_wait3A_149 : memref<1x1x256x64xbf16, #tpu.memory_space<vmem>> -> memref<256x64xbf16, #tpu.memory_space<vmem>>
    %dma_wait3A_151 = arith.constant 0 : i32
    %dma_wait3A_152 = arith.constant 0 : i32
    %dma_wait3A_153 = tpu.memref_slice %arg4[%dma_wait3A_151, %dma_wait3A_152] : memref<409600x128xbf16, #tpu.memory_space<hbm>> -> memref<256x64xbf16, #tpu.memory_space<hbm>>
    tpu.wait_dma2 semaphore(%dma_wait3A_146 : memref<!tpu.dma_semaphore, #tpu.memory_space<semaphore_mem>>) src(%dma_wait3A_153 : memref<256x64xbf16, #tpu.memory_space<hbm>>) dst(%dma_wait3A_150 : memref<256x64xbf16, #tpu.memory_space<vmem>>)
    %dma_wait3A_154 = arith.constant 0 : i32
    %dma_wait3A_155 = arith.constant 1 : i32
    %dma_wait3A_156 = arith.constant 0 : i32
    %dma_wait3A_157 = arith.constant 0 : i32
    %dma_wait3A_158 = arith.constant 0 : i32
    %dma_wait3A_159 = tpu.memref_slice %arg6[%dma_wait3A_154, %dma_wait3A_155, %dma_wait3A_157, %dma_wait3A_158] : memref<2x2x256x64xbf16, #tpu.memory_space<vmem>> -> memref<1x1x256x64xbf16, #tpu.memory_space<vmem>>
    %dma_wait3A_160 = tpu.memref_squeeze %dma_wait3A_159 : memref<1x1x256x64xbf16, #tpu.memory_space<vmem>> -> memref<256x64xbf16, #tpu.memory_space<vmem>>
    %dma_wait3A_161 = arith.constant 0 : i32
    %dma_wait3A_162 = arith.constant 0 : i32
    %dma_wait3A_163 = tpu.memref_slice %arg4[%dma_wait3A_161, %dma_wait3A_162] : memref<409600x128xbf16, #tpu.memory_space<hbm>> -> memref<256x64xbf16, #tpu.memory_space<hbm>>
    %dma_wait3A_164 = tpu.memref_slice %arg7[%dma_wait3A_156] : memref<2x!tpu.dma_semaphore, #tpu.memory_space<semaphore_mem>> -> memref<1x!tpu.dma_semaphore, #tpu.memory_space<semaphore_mem>>
    %dma_wait3A_165 = tpu.memref_squeeze %dma_wait3A_164 : memref<1x!tpu.dma_semaphore, #tpu.memory_space<semaphore_mem>> -> memref<!tpu.dma_semaphore, #tpu.memory_space<semaphore_mem>>
    %dma_wait3A_166 = arith.constant 0 : i32
    %dma_wait3A_167 = arith.constant 0 : i32
    %dma_wait3A_168 = tpu.memref_slice %arg6[%dma_wait3A_154, %dma_wait3A_155, %dma_wait3A_166, %dma_wait3A_167] : memref<2x2x256x64xbf16, #tpu.memory_space<vmem>> -> memref<1x1x256x64xbf16, #tpu.memory_space<vmem>>
    %dma_wait3A_169 = tpu.memref_squeeze %dma_wait3A_168 : memref<1x1x256x64xbf16, #tpu.memory_space<vmem>> -> memref<256x64xbf16, #tpu.memory_space<vmem>>
    %dma_wait3A_170 = arith.constant 0 : i32
    %dma_wait3A_171 = arith.constant 0 : i32
    %dma_wait3A_172 = tpu.memref_slice %arg4[%dma_wait3A_170, %dma_wait3A_171] : memref<409600x128xbf16, #tpu.memory_space<hbm>> -> memref<256x64xbf16, #tpu.memory_space<hbm>>
    tpu.wait_dma2 semaphore(%dma_wait3A_165 : memref<!tpu.dma_semaphore, #tpu.memory_space<semaphore_mem>>) src(%dma_wait3A_172 : memref<256x64xbf16, #tpu.memory_space<hbm>>) dst(%dma_wait3A_169 : memref<256x64xbf16, #tpu.memory_space<vmem>>)
    %add3A_173 = arith.constant 12288 : i32
    %add3A_174 = arith.addi %mul3A_2, %add3A_173 : i32
    %run_scoped3A = arith.constant 0 : i32
    %run_scoped3A_175 = arith.constant 0 : i32
    "tpu.region"() ({
      %run_scoped3A_226 = tpu.sem_alloc : memref<!tpu.dma_semaphore, #tpu.memory_space<semaphore_mem>>
      %dma_start3A_227 = arith.constant 0 : i32
      %dma_start3A_228 = arith.constant 0 : i32
      %dma_start3A_229 = tpu.memref_slice %arg6[%run_scoped3A, %run_scoped3A_175, %dma_start3A_227, %dma_start3A_228] : memref<2x2x256x64xbf16, #tpu.memory_space<vmem>> -> memref<1x1x256x64xbf16, #tpu.memory_space<vmem>>
      %dma_start3A_230 = tpu.memref_squeeze %dma_start3A_229 : memref<1x1x256x64xbf16, #tpu.memory_space<vmem>> -> memref<256x64xbf16, #tpu.memory_space<vmem>>
      %dma_start3A_231 = arith.constant 0 : i32
      %dma_start3A_232 = tpu.memref_slice %arg4[%add3A_174, %dma_start3A_231] : memref<409600x128xbf16, #tpu.memory_space<hbm>> -> memref<256x64xbf16, #tpu.memory_space<hbm>>
      %dma_start3A_233 = arith.constant 0 : i32
      %dma_start3A_234 = tpu.memref_slice %arg4[%add3A_174, %dma_start3A_233] : memref<409600x128xbf16, #tpu.memory_space<hbm>> -> memref<256x64xbf16, #tpu.memory_space<hbm>>
      %dma_start3A_235 = arith.constant 0 : i32
      %dma_start3A_236 = arith.constant 0 : i32
      %dma_start3A_237 = tpu.memref_slice %arg6[%run_scoped3A, %run_scoped3A_175, %dma_start3A_235, %dma_start3A_236] : memref<2x2x256x64xbf16, #tpu.memory_space<vmem>> -> memref<1x1x256x64xbf16, #tpu.memory_space<vmem>>
      %dma_start3A_238 = tpu.memref_squeeze %dma_start3A_237 : memref<1x1x256x64xbf16, #tpu.memory_space<vmem>> -> memref<256x64xbf16, #tpu.memory_space<vmem>>
      tpu.enqueue_dma source(%dma_start3A_238 : memref<256x64xbf16, #tpu.memory_space<vmem>>) target(%dma_start3A_234 : memref<256x64xbf16, #tpu.memory_space<hbm>>) target_semaphore(%run_scoped3A_226 : memref<!tpu.dma_semaphore, #tpu.memory_space<semaphore_mem>>)
      %dma_wait3A_239 = arith.constant 0 : i32
      %dma_wait3A_240 = arith.constant 0 : i32
      %dma_wait3A_241 = tpu.memref_slice %arg6[%run_scoped3A, %run_scoped3A_175, %dma_wait3A_239, %dma_wait3A_240] : memref<2x2x256x64xbf16, #tpu.memory_space<vmem>> -> memref<1x1x256x64xbf16, #tpu.memory_space<vmem>>
      %dma_wait3A_242 = tpu.memref_squeeze %dma_wait3A_241 : memref<1x1x256x64xbf16, #tpu.memory_space<vmem>> -> memref<256x64xbf16, #tpu.memory_space<vmem>>
      %dma_wait3A_243 = arith.constant 0 : i32
      %dma_wait3A_244 = tpu.memref_slice %arg4[%add3A_174, %dma_wait3A_243] : memref<409600x128xbf16, #tpu.memory_space<hbm>> -> memref<256x64xbf16, #tpu.memory_space<hbm>>
      %dma_wait3A_245 = arith.constant 0 : i32
      %dma_wait3A_246 = tpu.memref_slice %arg4[%add3A_174, %dma_wait3A_245] : memref<409600x128xbf16, #tpu.memory_space<hbm>> -> memref<256x64xbf16, #tpu.memory_space<hbm>>
      %dma_wait3A_247 = arith.constant 0 : i32
      %dma_wait3A_248 = arith.constant 0 : i32
      %dma_wait3A_249 = tpu.memref_slice %arg6[%run_scoped3A, %run_scoped3A_175, %dma_wait3A_247, %dma_wait3A_248] : memref<2x2x256x64xbf16, #tpu.memory_space<vmem>> -> memref<1x1x256x64xbf16, #tpu.memory_space<vmem>>
      %dma_wait3A_250 = tpu.memref_squeeze %dma_wait3A_249 : memref<1x1x256x64xbf16, #tpu.memory_space<vmem>> -> memref<256x64xbf16, #tpu.memory_space<vmem>>
      tpu.wait_dma2 semaphore(%run_scoped3A_226 : memref<!tpu.dma_semaphore, #tpu.memory_space<semaphore_mem>>) src(%dma_wait3A_250 : memref<256x64xbf16, #tpu.memory_space<vmem>>) dst(%dma_wait3A_246 : memref<256x64xbf16, #tpu.memory_space<hbm>>)
      tpu.yield
    }) : () -> ()
    %add3A_176 = arith.constant 12288 : i32
    %add3A_177 = arith.addi %mul3A_2, %add3A_176 : i32
    %run_scoped3A_178 = arith.constant 0 : i32
    %run_scoped3A_179 = arith.constant 1 : i32
    "tpu.region"() ({
      %run_scoped3A_226 = tpu.sem_alloc : memref<!tpu.dma_semaphore, #tpu.memory_space<semaphore_mem>>
      %dma_start3A_227 = arith.constant 0 : i32
      %dma_start3A_228 = arith.constant 0 : i32
      %dma_start3A_229 = tpu.memref_slice %arg6[%run_scoped3A_178, %run_scoped3A_179, %dma_start3A_227, %dma_start3A_228] : memref<2x2x256x64xbf16, #tpu.memory_space<vmem>> -> memref<1x1x256x64xbf16, #tpu.memory_space<vmem>>
      %dma_start3A_230 = tpu.memref_squeeze %dma_start3A_229 : memref<1x1x256x64xbf16, #tpu.memory_space<vmem>> -> memref<256x64xbf16, #tpu.memory_space<vmem>>
      %dma_start3A_231 = arith.constant 64 : i32
      %dma_start3A_232 = tpu.memref_slice %arg4[%add3A_177, %dma_start3A_231] : memref<409600x128xbf16, #tpu.memory_space<hbm>> -> memref<256x64xbf16, #tpu.memory_space<hbm>>
      %dma_start3A_233 = arith.constant 64 : i32
      %dma_start3A_234 = tpu.memref_slice %arg4[%add3A_177, %dma_start3A_233] : memref<409600x128xbf16, #tpu.memory_space<hbm>> -> memref<256x64xbf16, #tpu.memory_space<hbm>>
      %dma_start3A_235 = arith.constant 0 : i32
      %dma_start3A_236 = arith.constant 0 : i32
      %dma_start3A_237 = tpu.memref_slice %arg6[%run_scoped3A_178, %run_scoped3A_179, %dma_start3A_235, %dma_start3A_236] : memref<2x2x256x64xbf16, #tpu.memory_space<vmem>> -> memref<1x1x256x64xbf16, #tpu.memory_space<vmem>>
      %dma_start3A_238 = tpu.memref_squeeze %dma_start3A_237 : memref<1x1x256x64xbf16, #tpu.memory_space<vmem>> -> memref<256x64xbf16, #tpu.memory_space<vmem>>
      tpu.enqueue_dma source(%dma_start3A_238 : memref<256x64xbf16, #tpu.memory_space<vmem>>) target(%dma_start3A_234 : memref<256x64xbf16, #tpu.memory_space<hbm>>) target_semaphore(%run_scoped3A_226 : memref<!tpu.dma_semaphore, #tpu.memory_space<semaphore_mem>>)
      %dma_wait3A_239 = arith.constant 0 : i32
      %dma_wait3A_240 = arith.constant 0 : i32
      %dma_wait3A_241 = tpu.memref_slice %arg6[%run_scoped3A_178, %run_scoped3A_179, %dma_wait3A_239, %dma_wait3A_240] : memref<2x2x256x64xbf16, #tpu.memory_space<vmem>> -> memref<1x1x256x64xbf16, #tpu.memory_space<vmem>>
      %dma_wait3A_242 = tpu.memref_squeeze %dma_wait3A_241 : memref<1x1x256x64xbf16, #tpu.memory_space<vmem>> -> memref<256x64xbf16, #tpu.memory_space<vmem>>
      %dma_wait3A_243 = arith.constant 64 : i32
      %dma_wait3A_244 = tpu.memref_slice %arg4[%add3A_177, %dma_wait3A_243] : memref<409600x128xbf16, #tpu.memory_space<hbm>> -> memref<256x64xbf16, #tpu.memory_space<hbm>>
      %dma_wait3A_245 = arith.constant 64 : i32
      %dma_wait3A_246 = tpu.memref_slice %arg4[%add3A_177, %dma_wait3A_245] : memref<409600x128xbf16, #tpu.memory_space<hbm>> -> memref<256x64xbf16, #tpu.memory_space<hbm>>
      %dma_wait3A_247 = arith.constant 0 : i32
      %dma_wait3A_248 = arith.constant 0 : i32
      %dma_wait3A_249 = tpu.memref_slice %arg6[%run_scoped3A_178, %run_scoped3A_179, %dma_wait3A_247, %dma_wait3A_248] : memref<2x2x256x64xbf16, #tpu.memory_space<vmem>> -> memref<1x1x256x64xbf16, #tpu.memory_space<vmem>>
      %dma_wait3A_250 = tpu.memref_squeeze %dma_wait3A_249 : memref<1x1x256x64xbf16, #tpu.memory_space<vmem>> -> memref<256x64xbf16, #tpu.memory_space<vmem>>
      tpu.wait_dma2 semaphore(%run_scoped3A_226 : memref<!tpu.dma_semaphore, #tpu.memory_space<semaphore_mem>>) src(%dma_wait3A_250 : memref<256x64xbf16, #tpu.memory_space<vmem>>) dst(%dma_wait3A_246 : memref<256x64xbf16, #tpu.memory_space<hbm>>)
      tpu.yield
    }) : () -> ()
    %dma_wait3A_180 = arith.constant 1 : i32
    %dma_wait3A_181 = arith.constant 0 : i32
    %dma_wait3A_182 = arith.constant 1 : i32
    %dma_wait3A_183 = arith.constant 0 : i32
    %dma_wait3A_184 = arith.constant 0 : i32
    %dma_wait3A_185 = tpu.memref_slice %arg6[%dma_wait3A_180, %dma_wait3A_181, %dma_wait3A_183, %dma_wait3A_184] : memref<2x2x256x64xbf16, #tpu.memory_space<vmem>> -> memref<1x1x256x64xbf16, #tpu.memory_space<vmem>>
    %dma_wait3A_186 = tpu.memref_squeeze %dma_wait3A_185 : memref<1x1x256x64xbf16, #tpu.memory_space<vmem>> -> memref<256x64xbf16, #tpu.memory_space<vmem>>
    %dma_wait3A_187 = arith.constant 0 : i32
    %dma_wait3A_188 = arith.constant 0 : i32
    %dma_wait3A_189 = tpu.memref_slice %arg4[%dma_wait3A_187, %dma_wait3A_188] : memref<409600x128xbf16, #tpu.memory_space<hbm>> -> memref<256x64xbf16, #tpu.memory_space<hbm>>
    %dma_wait3A_190 = tpu.memref_slice %arg7[%dma_wait3A_182] : memref<2x!tpu.dma_semaphore, #tpu.memory_space<semaphore_mem>> -> memref<1x!tpu.dma_semaphore, #tpu.memory_space<semaphore_mem>>
    %dma_wait3A_191 = tpu.memref_squeeze %dma_wait3A_190 : memref<1x!tpu.dma_semaphore, #tpu.memory_space<semaphore_mem>> -> memref<!tpu.dma_semaphore, #tpu.memory_space<semaphore_mem>>
    %dma_wait3A_192 = arith.constant 0 : i32
    %dma_wait3A_193 = arith.constant 0 : i32
    %dma_wait3A_194 = tpu.memref_slice %arg6[%dma_wait3A_180, %dma_wait3A_181, %dma_wait3A_192, %dma_wait3A_193] : memref<2x2x256x64xbf16, #tpu.memory_space<vmem>> -> memref<1x1x256x64xbf16, #tpu.memory_space<vmem>>
    %dma_wait3A_195 = tpu.memref_squeeze %dma_wait3A_194 : memref<1x1x256x64xbf16, #tpu.memory_space<vmem>> -> memref<256x64xbf16, #tpu.memory_space<vmem>>
    %dma_wait3A_196 = arith.constant 0 : i32
    %dma_wait3A_197 = arith.constant 0 : i32
    %dma_wait3A_198 = tpu.memref_slice %arg4[%dma_wait3A_196, %dma_wait3A_197] : memref<409600x128xbf16, #tpu.memory_space<hbm>> -> memref<256x64xbf16, #tpu.memory_space<hbm>>
    tpu.wait_dma2 semaphore(%dma_wait3A_191 : memref<!tpu.dma_semaphore, #tpu.memory_space<semaphore_mem>>) src(%dma_wait3A_198 : memref<256x64xbf16, #tpu.memory_space<hbm>>) dst(%dma_wait3A_195 : memref<256x64xbf16, #tpu.memory_space<vmem>>)
    %dma_wait3A_199 = arith.constant 1 : i32
    %dma_wait3A_200 = arith.constant 1 : i32
    %dma_wait3A_201 = arith.constant 1 : i32
    %dma_wait3A_202 = arith.constant 0 : i32
    %dma_wait3A_203 = arith.constant 0 : i32
    %dma_wait3A_204 = tpu.memref_slice %arg6[%dma_wait3A_199, %dma_wait3A_200, %dma_wait3A_202, %dma_wait3A_203] : memref<2x2x256x64xbf16, #tpu.memory_space<vmem>> -> memref<1x1x256x64xbf16, #tpu.memory_space<vmem>>
    %dma_wait3A_205 = tpu.memref_squeeze %dma_wait3A_204 : memref<1x1x256x64xbf16, #tpu.memory_space<vmem>> -> memref<256x64xbf16, #tpu.memory_space<vmem>>
    %dma_wait3A_206 = arith.constant 0 : i32
    %dma_wait3A_207 = arith.constant 0 : i32
    %dma_wait3A_208 = tpu.memref_slice %arg4[%dma_wait3A_206, %dma_wait3A_207] : memref<409600x128xbf16, #tpu.memory_space<hbm>> -> memref<256x64xbf16, #tpu.memory_space<hbm>>
    %dma_wait3A_209 = tpu.memref_slice %arg7[%dma_wait3A_201] : memref<2x!tpu.dma_semaphore, #tpu.memory_space<semaphore_mem>> -> memref<1x!tpu.dma_semaphore, #tpu.memory_space<semaphore_mem>>
    %dma_wait3A_210 = tpu.memref_squeeze %dma_wait3A_209 : memref<1x!tpu.dma_semaphore, #tpu.memory_space<semaphore_mem>> -> memref<!tpu.dma_semaphore, #tpu.memory_space<semaphore_mem>>
    %dma_wait3A_211 = arith.constant 0 : i32
    %dma_wait3A_212 = arith.constant 0 : i32
    %dma_wait3A_213 = tpu.memref_slice %arg6[%dma_wait3A_199, %dma_wait3A_200, %dma_wait3A_211, %dma_wait3A_212] : memref<2x2x256x64xbf16, #tpu.memory_space<vmem>> -> memref<1x1x256x64xbf16, #tpu.memory_space<vmem>>
    %dma_wait3A_214 = tpu.memref_squeeze %dma_wait3A_213 : memref<1x1x256x64xbf16, #tpu.memory_space<vmem>> -> memref<256x64xbf16, #tpu.memory_space<vmem>>
    %dma_wait3A_215 = arith.constant 0 : i32
    %dma_wait3A_216 = arith.constant 0 : i32
    %dma_wait3A_217 = tpu.memref_slice %arg4[%dma_wait3A_215, %dma_wait3A_216] : memref<409600x128xbf16, #tpu.memory_space<hbm>> -> memref<256x64xbf16, #tpu.memory_space<hbm>>
    tpu.wait_dma2 semaphore(%dma_wait3A_210 : memref<!tpu.dma_semaphore, #tpu.memory_space<semaphore_mem>>) src(%dma_wait3A_217 : memref<256x64xbf16, #tpu.memory_space<hbm>>) dst(%dma_wait3A_214 : memref<256x64xbf16, #tpu.memory_space<vmem>>)
    %add3A_218 = arith.constant 12544 : i32
    %add3A_219 = arith.addi %mul3A_2, %add3A_218 : i32
    %run_scoped3A_220 = arith.constant 1 : i32
    %run_scoped3A_221 = arith.constant 0 : i32
    "tpu.region"() ({
      %run_scoped3A_226 = tpu.sem_alloc : memref<!tpu.dma_semaphore, #tpu.memory_space<semaphore_mem>>
      %dma_start3A_227 = arith.constant 0 : i32
      %dma_start3A_228 = arith.constant 0 : i32
      %dma_start3A_229 = tpu.memref_slice %arg6[%run_scoped3A_220, %run_scoped3A_221, %dma_start3A_227, %dma_start3A_228] : memref<2x2x256x64xbf16, #tpu.memory_space<vmem>> -> memref<1x1x256x64xbf16, #tpu.memory_space<vmem>>
      %dma_start3A_230 = tpu.memref_squeeze %dma_start3A_229 : memref<1x1x256x64xbf16, #tpu.memory_space<vmem>> -> memref<256x64xbf16, #tpu.memory_space<vmem>>
      %dma_start3A_231 = arith.constant 0 : i32
      %dma_start3A_232 = tpu.memref_slice %arg4[%add3A_219, %dma_start3A_231] : memref<409600x128xbf16, #tpu.memory_space<hbm>> -> memref<256x64xbf16, #tpu.memory_space<hbm>>
      %dma_start3A_233 = arith.constant 0 : i32
      %dma_start3A_234 = tpu.memref_slice %arg4[%add3A_219, %dma_start3A_233] : memref<409600x128xbf16, #tpu.memory_space<hbm>> -> memref<256x64xbf16, #tpu.memory_space<hbm>>
      %dma_start3A_235 = arith.constant 0 : i32
      %dma_start3A_236 = arith.constant 0 : i32
      %dma_start3A_237 = tpu.memref_slice %arg6[%run_scoped3A_220, %run_scoped3A_221, %dma_start3A_235, %dma_start3A_236] : memref<2x2x256x64xbf16, #tpu.memory_space<vmem>> -> memref<1x1x256x64xbf16, #tpu.memory_space<vmem>>
      %dma_start3A_238 = tpu.memref_squeeze %dma_start3A_237 : memref<1x1x256x64xbf16, #tpu.memory_space<vmem>> -> memref<256x64xbf16, #tpu.memory_space<vmem>>
      tpu.enqueue_dma source(%dma_start3A_238 : memref<256x64xbf16, #tpu.memory_space<vmem>>) target(%dma_start3A_234 : memref<256x64xbf16, #tpu.memory_space<hbm>>) target_semaphore(%run_scoped3A_226 : memref<!tpu.dma_semaphore, #tpu.memory_space<semaphore_mem>>)
      %dma_wait3A_239 = arith.constant 0 : i32
      %dma_wait3A_240 = arith.constant 0 : i32
      %dma_wait3A_241 = tpu.memref_slice %arg6[%run_scoped3A_220, %run_scoped3A_221, %dma_wait3A_239, %dma_wait3A_240] : memref<2x2x256x64xbf16, #tpu.memory_space<vmem>> -> memref<1x1x256x64xbf16, #tpu.memory_space<vmem>>
      %dma_wait3A_242 = tpu.memref_squeeze %dma_wait3A_241 : memref<1x1x256x64xbf16, #tpu.memory_space<vmem>> -> memref<256x64xbf16, #tpu.memory_space<vmem>>
      %dma_wait3A_243 = arith.constant 0 : i32
      %dma_wait3A_244 = tpu.memref_slice %arg4[%add3A_219, %dma_wait3A_243] : memref<409600x128xbf16, #tpu.memory_space<hbm>> -> memref<256x64xbf16, #tpu.memory_space<hbm>>
      %dma_wait3A_245 = arith.constant 0 : i32
      %dma_wait3A_246 = tpu.memref_slice %arg4[%add3A_219, %dma_wait3A_245] : memref<409600x128xbf16, #tpu.memory_space<hbm>> -> memref<256x64xbf16, #tpu.memory_space<hbm>>
      %dma_wait3A_247 = arith.constant 0 : i32
      %dma_wait3A_248 = arith.constant 0 : i32
      %dma_wait3A_249 = tpu.memref_slice %arg6[%run_scoped3A_220, %run_scoped3A_221, %dma_wait3A_247, %dma_wait3A_248] : memref<2x2x256x64xbf16, #tpu.memory_space<vmem>> -> memref<1x1x256x64xbf16, #tpu.memory_space<vmem>>
      %dma_wait3A_250 = tpu.memref_squeeze %dma_wait3A_249 : memref<1x1x256x64xbf16, #tpu.memory_space<vmem>> -> memref<256x64xbf16, #tpu.memory_space<vmem>>
      tpu.wait_dma2 semaphore(%run_scoped3A_226 : memref<!tpu.dma_semaphore, #tpu.memory_space<semaphore_mem>>) src(%dma_wait3A_250 : memref<256x64xbf16, #tpu.memory_space<vmem>>) dst(%dma_wait3A_246 : memref<256x64xbf16, #tpu.memory_space<hbm>>)
      tpu.yield
    }) : () -> ()
    %add3A_222 = arith.constant 12544 : i32
    %add3A_223 = arith.addi %mul3A_2, %add3A_222 : i32
    %run_scoped3A_224 = arith.constant 1 : i32
    %run_scoped3A_225 = arith.constant 1 : i32
    "tpu.region"() ({
      %run_scoped3A_226 = tpu.sem_alloc : memref<!tpu.dma_semaphore, #tpu.memory_space<semaphore_mem>>
      %dma_start3A_227 = arith.constant 0 : i32
      %dma_start3A_228 = arith.constant 0 : i32
      %dma_start3A_229 = tpu.memref_slice %arg6[%run_scoped3A_224, %run_scoped3A_225, %dma_start3A_227, %dma_start3A_228] : memref<2x2x256x64xbf16, #tpu.memory_space<vmem>> -> memref<1x1x256x64xbf16, #tpu.memory_space<vmem>>
      %dma_start3A_230 = tpu.memref_squeeze %dma_start3A_229 : memref<1x1x256x64xbf16, #tpu.memory_space<vmem>> -> memref<256x64xbf16, #tpu.memory_space<vmem>>
      %dma_start3A_231 = arith.constant 64 : i32
      %dma_start3A_232 = tpu.memref_slice %arg4[%add3A_223, %dma_start3A_231] : memref<409600x128xbf16, #tpu.memory_space<hbm>> -> memref<256x64xbf16, #tpu.memory_space<hbm>>
      %dma_start3A_233 = arith.constant 64 : i32
      %dma_start3A_234 = tpu.memref_slice %arg4[%add3A_223, %dma_start3A_233] : memref<409600x128xbf16, #tpu.memory_space<hbm>> -> memref<256x64xbf16, #tpu.memory_space<hbm>>
      %dma_start3A_235 = arith.constant 0 : i32
      %dma_start3A_236 = arith.constant 0 : i32
      %dma_start3A_237 = tpu.memref_slice %arg6[%run_scoped3A_224, %run_scoped3A_225, %dma_start3A_235, %dma_start3A_236] : memref<2x2x256x64xbf16, #tpu.memory_space<vmem>> -> memref<1x1x256x64xbf16, #tpu.memory_space<vmem>>
      %dma_start3A_238 = tpu.memref_squeeze %dma_start3A_237 : memref<1x1x256x64xbf16, #tpu.memory_space<vmem>> -> memref<256x64xbf16, #tpu.memory_space<vmem>>
      tpu.enqueue_dma source(%dma_start3A_238 : memref<256x64xbf16, #tpu.memory_space<vmem>>) target(%dma_start3A_234 : memref<256x64xbf16, #tpu.memory_space<hbm>>) target_semaphore(%run_scoped3A_226 : memref<!tpu.dma_semaphore, #tpu.memory_space<semaphore_mem>>)
      %dma_wait3A_239 = arith.constant 0 : i32
      %dma_wait3A_240 = arith.constant 0 : i32
      %dma_wait3A_241 = tpu.memref_slice %arg6[%run_scoped3A_224, %run_scoped3A_225, %dma_wait3A_239, %dma_wait3A_240] : memref<2x2x256x64xbf16, #tpu.memory_space<vmem>> -> memref<1x1x256x64xbf16, #tpu.memory_space<vmem>>
      %dma_wait3A_242 = tpu.memref_squeeze %dma_wait3A_241 : memref<1x1x256x64xbf16, #tpu.memory_space<vmem>> -> memref<256x64xbf16, #tpu.memory_space<vmem>>
      %dma_wait3A_243 = arith.constant 64 : i32
      %dma_wait3A_244 = tpu.memref_slice %arg4[%add3A_223, %dma_wait3A_243] : memref<409600x128xbf16, #tpu.memory_space<hbm>> -> memref<256x64xbf16, #tpu.memory_space<hbm>>
      %dma_wait3A_245 = arith.constant 64 : i32
      %dma_wait3A_246 = tpu.memref_slice %arg4[%add3A_223, %dma_wait3A_245] : memref<409600x128xbf16, #tpu.memory_space<hbm>> -> memref<256x64xbf16, #tpu.memory_space<hbm>>
      %dma_wait3A_247 = arith.constant 0 : i32
      %dma_wait3A_248 = arith.constant 0 : i32
      %dma_wait3A_249 = tpu.memref_slice %arg6[%run_scoped3A_224, %run_scoped3A_225, %dma_wait3A_247, %dma_wait3A_248] : memref<2x2x256x64xbf16, #tpu.memory_space<vmem>> -> memref<1x1x256x64xbf16, #tpu.memory_space<vmem>>
      %dma_wait3A_250 = tpu.memref_squeeze %dma_wait3A_249 : memref<1x1x256x64xbf16, #tpu.memory_space<vmem>> -> memref<256x64xbf16, #tpu.memory_space<vmem>>
      tpu.wait_dma2 semaphore(%run_scoped3A_226 : memref<!tpu.dma_semaphore, #tpu.memory_space<semaphore_mem>>) src(%dma_wait3A_250 : memref<256x64xbf16, #tpu.memory_space<vmem>>) dst(%dma_wait3A_246 : memref<256x64xbf16, #tpu.memory_space<hbm>>)
      tpu.yield
    }) : () -> ()
    return
  }
}

module attributes {stable_mosaic.version = 14 : i64} {
  func.func @_prep_body(%arg0: i32, %arg1: memref<2000x64xf32, #tpu.memory_space<vmem>>, %arg2: memref<64x64xf32, #tpu.memory_space<vmem>>, %arg3: memref<1x64xf32, #tpu.memory_space<vmem>>, %arg4: memref<2000x64xbf16, #tpu.memory_space<vmem>>) attributes {dimension_semantics = [#tpu.dimension_semantics<arbitrary>], iteration_bounds = array<i64: 501>, scalar_prefetch = 0 : i64, scratch_operands = 0 : i64, tpu.core_type = #tpu.core_type<tc>, window_params = [{transform_indices = @transform_0, window_bounds = array<i64: 2000, 64>}, {pipeline_mode = #tpu.pipeline_mode<synchronous>, transform_indices = @transform_1, window_bounds = array<i64: 64, 64>}, {pipeline_mode = #tpu.pipeline_mode<synchronous>, transform_indices = @transform_2, window_bounds = array<i64: 1, 64>}, {transform_indices = @transform_3, window_bounds = array<i64: 2000, 64>}]} {
    %get3A = arith.constant 0 : index
    %get3A_0 = arith.constant 0 : index
    %get3A_1 = vector.load %arg1[%get3A, %get3A_0] : memref<2000x64xf32, #tpu.memory_space<vmem>>, vector<2000x64xf32>
    %get3A_2 = arith.constant 0 : index
    %get3A_3 = arith.constant 0 : index
    %get3A_4 = vector.load %arg2[%get3A_2, %get3A_3] : memref<64x64xf32, #tpu.memory_space<vmem>>, vector<64x64xf32>
    %dot_general3A = arith.constant dense<0.000000e+00> : vector<2000x64xf32>
    %dot_general3A_5 = tpu.matmul %get3A_1, %get3A_4, %dot_general3A {dimension_numbers = #tpu.dot_dimension_numbers<[1], [1], [0], [0], [0, 0, 1, 0], [], []>, transpose_lhs_hint = false} : vector<2000x64xf32>, vector<64x64xf32>, vector<2000x64xf32> -> vector<2000x64xf32>
    %get3A_6 = arith.constant 0 : index
    %get3A_7 = arith.constant 0 : index
    %get3A_8 = vector.load %arg3[%get3A_6, %get3A_7] : memref<1x64xf32, #tpu.memory_space<vmem>>, vector<1x64xf32>
    %add3A = vector.broadcast %get3A_8 : vector<1x64xf32> to vector<2000x64xf32>
    %add3A_9 = arith.addf %dot_general3A_5, %add3A : vector<2000x64xf32>
    %convert_element_type3A = arith.truncf %add3A_9 : vector<2000x64xf32> to vector<2000x64xbf16>
    %lt3A = arith.constant 500 : i32
    %lt3A_10 = arith.cmpi slt, %arg0, %lt3A : i32
    %broadcast_in_dim3A = arith.constant 0.000000e+00 : bf16
    %broadcast_in_dim3A_11 = vector.broadcast %broadcast_in_dim3A : bf16 to vector<2000x64xbf16>
    %select_n3A = arith.select %lt3A_10, %convert_element_type3A, %broadcast_in_dim3A_11 : vector<2000x64xbf16>
    %swap3A = arith.constant 0 : index
    %swap3A_12 = arith.constant 0 : index
    %swap3A_13 = vector.load %arg4[%swap3A, %swap3A_12] : memref<2000x64xbf16, #tpu.memory_space<vmem>>, vector<2000x64xbf16>
    tpu.vector_store %arg4[%swap3A, %swap3A_12], %select_n3A {strides = array<i32>} : memref<2000x64xbf16, #tpu.memory_space<vmem>>, vector<2000x64xbf16>,
    return
  }
  func.func @transform_0(%arg0: i32) -> (i32, i32) {
    %min3A = arith.constant 499 : i32
    %min3A_0 = arith.minsi %arg0, %min3A : i32
    %c0_i32 = arith.constant 0 : i32
    %c0_i32_1 = arith.constant 0 : i32
    return %min3A_0, %c0_i32 : i32, i32
  }
  func.func @transform_1(%arg0: i32) -> (i32, i32) {
    %c0_i32 = arith.constant 0 : i32
    %c0_i32_0 = arith.constant 0 : i32
    %c0_i32_1 = arith.constant 0 : i32
    return %c0_i32, %c0_i32_0 : i32, i32
  }
  func.func @transform_2(%arg0: i32) -> (i32, i32) {
    %c0_i32 = arith.constant 0 : i32
    %c0_i32_0 = arith.constant 0 : i32
    %c0_i32_1 = arith.constant 0 : i32
    return %c0_i32, %c0_i32_0 : i32, i32
  }
  func.func @transform_3(%arg0: i32) -> (i32, i32) {
    %c0_i32 = arith.constant 0 : i32
    %c0_i32_0 = arith.constant 0 : i32
    return %arg0, %c0_i32 : i32, i32
  }
}

</mosaic_0001>

<sc_bundles>
// kernel: kernel.4.cloned.1.call-start
scs
__scs_entry_jumppad:
0x0: {  	(pc) =	sbr.rel $0x88, $3  }
0x1: {  	(tag) =	ssettag $0x0;
	lr =	simm.s32 $0x1  }
0x2: {  	[smem:$0x3F9C] =	sst lr;
	_ =	strace $0xD0000000  }
0x3: {  	_ = 	snop  }
0x4: {  	_ = 	snop  }
0x5: {  	_ = 	snop  }
0x6: {  	_ = 	snop  }
0x7: {  	_ = 	snop  }
__scs_overlays_trampoline_lowered:
0x8: {  	[smem:$0x3FAB] =	sst s0  }
0x9: {  	[smem:$0x3FAC] =	sst s1  }
0xa: {  	[smem:$0x3FAD] =	sst s2  }
0xb: {  	[smem:$0x3FAE] =	sst s3  }
0xc: {  	[smem:$0x3FAF] =	sst s4  }
0xd: {  	[smem:$0x3FB0] =	sst s5  }
0xe: {  	[smem:$0x3FB1] =	sst s6  }
0xf: {  	[smem:$0x3FB2] =	sst s7  }
0x10: {  	[smem:$0x3FB3] =	sst s8  }
0x11: {  	[smem:$0x3FB4] =	sst s9;
	s0 =	simm.s32 @!p0 $0x0  }
0x12: {  	s1 =	sld [smem:$0x3F9A];
	s0 =	simm.s32 @p0 $0x1  }
0x13: {  	[smem:$0x3FB5] =	sst s0;
	s0 =	simm.s32 @!p1 $0x0  }
0x14: {  	s2 =	sld [smem:$0x3F99];
	s0 =	simm.s32 @p1 $0x1  }
0x15: {  	[smem:$0x3FB6] =	sst s0;
	s0 =	simm.s32 @!p2 $0x0  }
0x16: {  	s3 =	sld [smem:$0x3FDB];
	s0 =	simm.s32 @p2 $0x1  }
0x17: {  	s4 =	simm.s32 $0x1BF5;
	[smem:$0x3FB8] =	sst s0  }
0x18: {  	s0 =	sld [smem:$0x3F9B];
	_ =	swait.ge [sflag:s4], $0x0  }
0x19: {  	s7 =	sld [smem:$0x3F9C]  }
0x1a: {  	s8 =	sadd.s32 $0xFFFFE003, lr  }
0x1b: {  	s9 =	sadd.s32 $0xFFFFFEF7, lr;
	s5 =	simm.s32 $0xFFFFFFFF;
	p2 =	slt.u32 s8, $0xFFFFF086  }
0x1c: {  	p1 =	slt.u32 s9, $0xF7A;
	s5 =	simm.s32 @!p2 $0x0  }
0x1d: {  	s5 =	simm.s32 @p1 $0x1;
	p0 =	seq.s32 s7, s2  }
0x1e: {  	s7 =	smul.u32 @!p0 $0xF7A, s2;
	p2 =	seq.s32 @!p0 s5, $0x0  }
0x1f: {  	s9 =	smul.u32 $0xF7A, s1;
	s8 =	simm.s32 @!p0 $0x1BF5;
	p2 =	por !p2, p0  }
0x20: {  	[sflag:s8] =	ssyncset.s32 @!p0 $0xFFFFF086;
	s6 =	sadd.s32 @!p0 s3, s7;
	s7 =	simm.s32 @!p0 $0x108  }
0x21: {  	s3 =	sadd.s32 s3, s9;
	s6 =	sadd.s32 @!p0 $0x88, s6;
	s7 =	simm.s32 @p2 $0x1082  }
0x22: {  	[simem:s7], [sflag:s8] =	dma.local @!p0 [hbm:s6], $0xF7A  }
0x23: {  	s9 =	sor.u32 $0xD0000000, s2;
	s6 =	simm.s32 $0x108;
	_ =	swait.ge @!p0 [sflag:s8], $0x0  }
0x24: {  	s3 =	sadd.s32 $0x88, s3;
	s6 =	simm.s32 @!p1 $0x1082;
	[sflag:s4] =	ssyncset.s32 $0xFFFFF086  }
0x25: {  	[simem:s6], [sflag:s4] =	dma.local [hbm:s3], $0xF7A  }
0x26: {  	[smem:$0x3F9C] =	sst s1;
	(tag) =	ssettag s2;
	_ =	strace s9  }
0x27: {  	s1 =	sld [smem:$0x3FAC]  }
0x28: {  	s2 =	sld [smem:$0x3FAD]  }
0x29: {  	s4 =	sld [smem:$0x3FAF]  }
0x2a: {  	p0 =	seq.s32 s5, $0x0;
	s5 =	sld [smem:$0x3FB0]  }
0x2b: {  	s6 =	sld [smem:$0x3FB1]  }
0x2c: {  	s7 =	sld [smem:$0x3FB2]  }
0x2d: {  	s3 =	simm.s32 $0x108;
	s8 =	sld [smem:$0x3FB3]  }
0x2e: {  	s3 =	simm.s32 @!p0 $0x1082;
	s9 =	sld [smem:$0x3FB4]  }
0x2f: {  	lr =	sadd.s32 s0, s3;
	s0 =	sld [smem:$0x3FAB]  }
0x30: {  	s3 =	sld [smem:$0x3FAE]  }
0x31: {  	[smem:$0x3FB7] =	sst s10  }
0x32: {  	s10 =	sld [smem:$0x3FB5];
	_ =	sdelay $0x3  }
0x33: {  	p0 =	seq.s32 s10, $0x1;
	s10 =	sld [smem:$0x3FB7];
	_ =	sdelay $0x3  }
0x34: {  	[smem:$0x3FB7] =	sst s10  }
0x35: {  	s10 =	sld [smem:$0x3FB6];
	_ =	sdelay $0x3  }
0x36: {  	p1 =	seq.s32 s10, $0x1;
	s10 =	sld [smem:$0x3FB7];
	_ =	sdelay $0x3  }
0x37: {  	[smem:$0x3FB7] =	sst s10  }
0x38: {  	s10 =	sld [smem:$0x3FB8]  }
0x39: {  	_ = 	snop;
	(pc) =	sbr.ind lr, $3  }
0x3a: {  	_ = 	snop  }
0x3b: {  	_ = 	snop  }
0x3c: {  	p2 =	seq.s32 s10, $0x1;
	s10 =	sld [smem:$0x3FB7]  }
0x3d: {  	_ =	shalt  }
0x3e: {  	_ =	shalt  }
0x3f: {  	_ =	shalt  }
0x40: {  	_ =	shalt  }
0x41: {  	_ =	shalt  }
0x42: {  	_ =	shalt  }
0x43: {  	_ =	shalt  }
0x44: {  	_ =	shalt  }
0x45: {  	_ =	shalt  }
0x46: {  	_ =	shalt  }
0x47: {  	_ =	shalt  }
0x48: {  	_ =	shalt  }
0x49: {  	_ =	shalt  }
0x4a: {  	_ =	shalt  }
0x4b: {  	_ =	shalt  }
0x4c: {  	_ =	shalt  }
0x4d: {  	_ =	shalt  }
0x4e: {  	_ =	shalt  }
0x4f: {  	_ =	shalt  }
0x50: {  	_ =	shalt  }
0x51: {  	_ =	shalt  }
0x52: {  	_ =	shalt  }
0x53: {  	_ =	shalt  }
0x54: {  	_ =	shalt  }
0x55: {  	_ =	shalt  }
0x56: {  	_ =	shalt  }
0x57: {  	_ =	shalt  }
0x58: {  	_ =	shalt  }
0x59: {  	_ =	shalt  }
0x5a: {  	_ =	shalt  }
0x5b: {  	_ =	shalt  }
0x5c: {  	_ =	shalt  }
0x5d: {  	_ =	shalt  }
0x5e: {  	_ =	shalt  }
0x5f: {  	_ =	shalt  }
0x60: {  	_ =	shalt  }
0x61: {  	_ =	shalt  }
0x62: {  	_ =	shalt  }
0x63: {  	_ =	shalt  }
0x64: {  	_ =	shalt  }
0x65: {  	_ =	shalt  }
0x66: {  	_ =	shalt  }
0x67: {  	_ =	shalt  }
0x68: {  	_ =	shalt  }
0x69: {  	_ =	shalt  }
0x6a: {  	_ =	shalt  }
0x6b: {  	_ =	shalt  }
0x6c: {  	_ =	shalt  }
0x6d: {  	_ =	shalt  }
0x6e: {  	_ =	shalt  }
0x6f: {  	_ =	shalt  }
0x70: {  	_ =	shalt  }
0x71: {  	_ =	shalt  }
0x72: {  	_ =	shalt  }
0x73: {  	_ =	shalt  }
0x74: {  	_ =	shalt  }
0x75: {  	_ =	shalt  }
0x76: {  	_ =	shalt  }
0x77: {  	_ =	shalt  }
0x78: {  	_ =	shalt  }
0x79: {  	_ =	shalt  }
0x7a: {  	_ =	shalt  }
0x7b: {  	_ =	shalt  }
0x7c: {  	_ =	shalt  }
0x7d: {  	_ =	shalt  }
0x7e: {  	_ =	shalt  }
0x7f: {  	_ =	shalt  }
0x80: {  	_ =	shalt  }
0x81: {  	_ =	shalt  }
0x82: {  	_ =	shalt  }
0x83: {  	_ =	shalt  }
0x84: {  	_ =	shalt  }
0x85: {  	_ =	shalt  }
0x86: {  	_ =	shalt  }
0x87: {  	_ =	shalt  }
.Lfunc_end0:
.L_simem_size_0:
called_computation.1_lowered:
.L_overlay_start_0:
0x88: {  	s2 =	sld [smem:$0x3FD9]  }
0x89: {  	s3 =	sld [smem:$0x3FFE];
	_ =	sdelay $0x1  }
0x8a: {  	s1 =	srdreg.scid  }
0x8b: {  	s0 =	sand.u32 $0x1, s1  }
0x8c: {  	s17 =	sshll.u32 s0, $0xA;
	s2 =	sadd.s32 s3, s2  }
0x8d: {  	s2 =	sadd.s32 s2, s17  }
0x8e: {  	[smem:$0x3FC3] =	sst s2  }
0x8f: {  	_ = 	snop  }
0x90: {  	s2 =	sld [smem:$0x3FD0];
	(tm) =	ssettm $0x1  }
0x91: {  	s18 =	sld [smem:$0x3FFB];
	_ =	sdelay $0x3  }
0x92: {  	_ =	strace s18  }
0x93: {  	s3 =	sld [smem:$0x3FFC];
	_ =	sdelay $0x3  }
0x94: {  	_ =	strace s3  }
0x95: {  	s3 =	sld [smem:$0x3FFD];
	_ =	sdelay $0x3  }
0x96: {  	_ =	strace s3  }
0x97: {  	_ =	strace $0x8FFFFFFF  }
0x98: {  	s19 =	sld [smem:$0x3FDB];
	_ =	sdelay $0x1  }
0x99: {  	s4 =	simm.s32 $_scs_section_size  }
0x9a: {  	s5 =	simm.s32 $_size__tile_overlayer_lowered;
	s6 =	simm.s32 $_tile_overlayer_lowered  }
0x9b: {  	s22 =	simm.s32 $0x1BFF;
	s21 =	sshll.u32 s6, $0x1;
	s3 =	sadd.s32 s4, s19  }
0x9c: {  	s7 =	simm.s32 $0x0;
	s20 =	sshll.u32 s5, $0x1;
	s5 =	sadd.s32 s21, s3  }
0x9d: {  	[timem:s7], [sflag:s22] =	dma.local [hbm:s5], s20  }
0x9e: {  	_ =	swait.ge [sflag:s22], s20  }
0x9f: {  	s4 =	ssub.s32 $0x0, s20;
	[sflag:s22] =	ssyncset.done $0x0  }
0xa0: {  	[sflag:s22] =	ssyncadd.s32 s4;
	_ =	sdelay $0x1  }
0xa1: {  	s23 =	simm.s32 $0x1B8B  }
0xa2: {  	_ =	swait.ge [sflag:s23], $0x1  }
0xa3: {  	[sflag:s23] =	ssyncset.done $0x0  }
0xa4: {  	s25 =	simm.s32 $0x1B8E;
	s24 =	sld [smem:$0x3FFE];
	[sflag:s23] =	ssyncadd.s32 $0xFFFFFFFF  }
0xa5: {  	s26 =	simm.s32 $execute0_lowered;
	[smem:$0x3FD2] =	sst s25  }
0xa6: {  	s5 =	sshll.u32 s26, $0x1;
	_ =	strace $0x80000046;
	[dreg:$0x1] =	wrdreg $0xFFFFFFFF  }
0xa7: {  	s28 =	simm.s32 $_size_execute0_lowered;
	s3 =	sadd.s32 s3, s5;
	[dreg:$0x0] =	wrdreg $0x0  }
0xa8: {  	s5 =	sshll.u32 s28, $0x1;
	[dreg:$0x2] =	wrdreg s3  }
0xa9: {  	[dreg:$0x3] =	wrdreg s5  }
0xaa: {  	[dreg:$0x4] =	wrdreg $0xC0  }
0xab: {  	_ =	task [dreg:s7], $0x5FFFF  }
0xac: {  	[dreg:$0x1] =	wrdreg $0xFFFFFFFF  }
0xad: {  	[dreg:$0x0] =	wrdreg $0x60  }
0xae: {  	[dreg:$0x2] =	wrdreg s2  }
0xaf: {  	[dreg:$0x3] =	wrdreg s24  }
0xb0: {  	[dreg:$0x4] =	wrdreg $0x9  }
0xb1: {  	_ =	task.clear_ibuf [dreg:s7], $0x5FFFF;
	_ =	strace $0x90000046  }
0xb2: {  	s29 =	simm.s32 $0x9;
	_ =	strace $0x80000048  }
0xb3: {  	_ =	swait.ge [sflag:s29], $0x1  }
0xb4: {  	[sflag:s29] =	ssyncadd.s32 $0xFFFFFFFF  }
0xb5: {  	_ =	strace $0x90000048  }
0xb6: {  	_ =	sfence  }
0xb7: {  	s30 =	sld [smem:$0x0];
	_ =	sdelay $0x2  }
0xb8: {  	s31 =	sshll.u32 s1, $0xD;
	s1 =	sshrl.u32 s1, $0x2  }
0xb9: {  	s3 =	sand.u32 $0x4000, s31;
	s1 =	sadd.s32 s1, s30  }
0xba: {  	s0 =	sor.u32 s3, s0;
	s1 =	sshll.u32 s1, $0x11  }
0xbb: {  	s0 =	sor.u32 s1, s0  }
0xbc: {  	s0 =	sadd.s32 $0x8F2B, s0  }
0xbd: {  	[sflag:s0] =	ssyncadd.remote.s32 $0x1  }
0xbe: {  	_ =	sfence.sel $0xFFFF  }
0xbf: {  	[dreg:$0x0] =	wrdreg $0xFFFFFFFF;
	(pc) =	sbr.abs _section_cstart, $3  }
0xc0: {  	[dreg:$0x1] =	wrdreg $0xFFFFFFFF  }
0xc1: {  	_ =	task.clear_ibuf [dreg:s7], $0x2FFFF;
	_ =	strace $0x9FFFFFFF  }
0xc2: {  	(tm) =	ssettm $0x7FFFFFFF  }
0xc3: {  	_ =	shalt  }
tec
execute0_lowered:
.L_overlay_start_1:
0x0: {  	(tag) =	ssettag $0x1  }
0x1: {  	s0 =	rddreg [dreg:$0x0]  }
0x2: {  	s1 =	rddreg [dreg:$0x1];
	s2 =	simm.s32 $0x0  }
0x3: {  	s3 =	srdreg.scid;
	s12 =	stileid.u32;
	s13 =	simm.s32 $0x80  }
0x4: {  	s14 =	simm.s32 $0x6400;
	s15 =	simm.s32 $0x7400;
	s17 =	simm.s32 $0x8400  }
0x5: {  	s19 =	simm.s32 $0x9400;
	s21 =	simm.s32 $0xA400;
	s28 =	simm.s32 $0xD400  }
0x6: {  	s29 =	simm.s32 $0x1;
	s30 =	simm.s32 $0x20;
	s10 =	smul.u32 $0x320000, s12  }
0x7: {  	s8 =	sand.u32 $0x1, s3;
	s22 =	sshll.u32 s12, $0x1;
	s12 =	smul.u32 $0x32000, s12  }
0x8: {  	s31 =	simm.s32 $0x40;
	[smem:$0x7FF] =	sst s2;
	s11 =	smul.u32 $0x190000, s8  }
0x9: {  	s3 =	sadd.s32 $0x3D3A00, s1;
	s4 =	sor.u32 s8, s22;
	s25 =	smul.u32 $0x19000, s8  }
0xa: {  	s1 =	sadd.s32 $0x1000, s1;
	s5 =	ssub.s32 $0x2, s8;
	s6 =	smul.u32 $0x190000, s4  }
0xb: {  	_ =	strace $0x80000047;
	s7 =	sshrl.u32 s5, $0x1;
	s4 =	smul.u32 $0xC80, s4  }
0xc: {  	s12 =	sadd.s32 s12, s1;
	s9 =	ssub.s32 s5, s7;
	s10 =	sadd.s32 s11, s10  }
0xd: {  	s11 =	sadd.s32 s25, s12;
	s12 =	simm.s32 $0x3;
	s25 =	simm.s32 $0xC400  }
0xe: {  	s23 =	sshrl.u32 s6, $0x4;
	s4 =	sadd.s32 s0, s4;
	s26 =	sshrl.u32 s10, $0x4  }
0xf: {  	s9 =	smax.u32 s9, $0x1;
	s0 =	simm.s32 $0x2;
	s24 =	sadd.s32 s1, s23  }
0x10: {  	s10 =	sadd.s32 s26, s1;
	s23 =	simm.s32 $0xB400;
	s26 =	simm.s32 $0x380  }
0x11: {  	s1 =	simm.s32 $0x0;
	s5 =	sadd.s32 $0x18000, s24;
	s6 =	sadd.s32 $0x18004, s24  }
0x12: {  	s7 =	sadd.s32 $0x18800, s24;
	s8 =	sadd.s32 $0x18804, s24;
	s24 =	simm.s32 $0x300  }
.LBB2_1:
0x13: {  	[tilespmem:s2], [sflag:$0x3] =	stream.linear.gather [hbm4b:s4+s2], $0x6400, $0x38;
	[tilespmem:$0xE400] =	vst v63  }
0x14: {  	_ =	swait.ge [sflag:s12], $0x6400  }
0x15: {  	[sflag:s12] =	ssyncset.done $0x0  }
0x16: {  	[sflag:s12] =	ssyncadd.s32 $0xFFFF9C00  }
0x17: {  	[tilespmem:s14], [sflag:$0x1] =	stream.indirect.gather [hbm4b:s3+s13], $0x20, s2, s13, $0xb8;
	[tilespmem:$0xE400] =	vst v63  }
0x18: {  	_ = 	snop  }
0x19: {  	[tilespmem:s15], [sflag:$0x1] =	stream.indirect.gather [hbm4b:s3+s13], $0x20, s13, s13, $0xb8;
	[tilespmem:$0xE400] =	vst v63  }
0x1a: {  	s16 =	simm.s32 $0x100  }
0x1b: {  	[tilespmem:s17], [sflag:$0x1] =	stream.indirect.gather [hbm4b:s3+s13], $0x20, s16, s13, $0xb8;
	[tilespmem:$0xE400] =	vst v63  }
0x1c: {  	s18 =	simm.s32 $0x180  }
0x1d: {  	[tilespmem:s19], [sflag:$0x1] =	stream.indirect.gather [hbm4b:s3+s13], $0x20, s18, s13, $0xb8;
	[tilespmem:$0xE400] =	vst v63  }
0x1e: {  	s20 =	simm.s32 $0x200  }
0x1f: {  	[tilespmem:s21], [sflag:$0x2] =	stream.indirect.gather [hbm4b:s3+s13], $0x20, s20, s13, $0xb8;
	[tilespmem:$0xE400] =	vst v63  }
0x20: {  	s22 =	simm.s32 $0x280  }
0x21: {  	[tilespmem:s23], [sflag:$0x2] =	stream.indirect.gather [hbm4b:s3+s13], $0x20, s22, s13, $0xb8;
	[tilespmem:$0xE400] =	vst v63  }
0x22: {  	_ = 	snop  }
0x23: {  	[tilespmem:s25], [sflag:$0x2] =	stream.indirect.gather [hbm4b:s3+s13], $0x20, s24, s13, $0xb8;
	[tilespmem:$0xE400] =	vst v63  }
0x24: {  	_ = 	snop  }
0x25: {  	[tilespmem:s28], [sflag:$0x2] =	stream.indirect.gather [hbm4b:s3+s13], $0x20, s26, s13, $0xb8;
	[tilespmem:$0xE400] =	vst v63  }
0x26: {  	_ =	swait.ge [sflag:s29], $0x2000  }
0x27: {  	[sflag:s29] =	ssyncset.done $0x0  }
0x28: {  	[sflag:s29] =	ssyncadd.s32 $0xFFFFE000  }
0x29: {  	_ =	swait.ge [sflag:s29], $0x2000  }
0x2a: {  	[sflag:s29] =	ssyncset.done $0x0  }
0x2b: {  	s18 =	sadd.s32 $0x0, s10;
	[sflag:s29] =	ssyncadd.s32 $0xFFFFE000  }
0x2c: {  	[hbm4b:s18+s30] =	stream.strided.scatter [tilespmem:s14], [sflag:$0x3], $0x2000, s31, s30, $0x38;
	[tilespmem:$0xE400] =	vst v63  }
0x2d: {  	_ =	swait.ge [sflag:s12], $0x2000  }
0x2e: {  	[sflag:s12] =	ssyncset.done $0x0  }
0x2f: {  	s16 =	sadd.s32 $0x4, s18;
	[sflag:s12] =	ssyncadd.s32 $0xFFFFE000  }
0x30: {  	[hbm4b:s16+s30] =	stream.strided.scatter [tilespmem:s17], [sflag:$0x3], $0x2000, s31, s30, $0x38;
	[tilespmem:$0xE400] =	vst v63  }
0x31: {  	_ =	swait.ge [sflag:s12], $0x2000  }
0x32: {  	[sflag:s12] =	ssyncset.done $0x0  }
0x33: {  	s20 =	simm.s32 $0x400;
	[sflag:s12] =	ssyncadd.s32 $0xFFFFE000  }
0x34: {  	[tilespmem:s14], [sflag:$0x1] =	stream.indirect.gather [hbm4b:s3+s13], $0x20, s20, s13, $0xb8;
	[tilespmem:$0xE400] =	vst v63  }
0x35: {  	s22 =	simm.s32 $0x480  }
0x36: {  	[tilespmem:s15], [sflag:$0x1] =	stream.indirect.gather [hbm4b:s3+s13], $0x20, s22, s13, $0xb8;
	[tilespmem:$0xE400] =	vst v63  }
0x37: {  	s18 =	simm.s32 $0x500  }
0x38: {  	[tilespmem:s17], [sflag:$0x1] =	stream.indirect.gather [hbm4b:s3+s13], $0x20, s18, s13, $0xb8;
	[tilespmem:$0xE400] =	vst v63  }
0x39: {  	s20 =	simm.s32 $0x580  }
0x3a: {  	[tilespmem:s19], [sflag:$0x1] =	stream.indirect.gather [hbm4b:s3+s13], $0x20, s20, s13, $0xb8;
	[tilespmem:$0xE400] =	vst v63  }
0x3b: {  	_ =	swait.ge [sflag:s0], $0x2000  }
0x3c: {  	[sflag:s0] =	ssyncset.done $0x0  }
0x3d: {  	[sflag:s0] =	ssyncadd.s32 $0xFFFFE000  }
0x3e: {  	_ =	swait.ge [sflag:s0], $0x2000  }
0x3f: {  	s22 =	sadd.s32 $0x0, s11;
	[sflag:s0] =	ssyncset.done $0x0  }
0x40: {  	s18 =	sadd.s32 $0x800, s22;
	[sflag:s0] =	ssyncadd.s32 $0xFFFFE000  }
0x41: {  	[hbm4b:s18+s30] =	stream.strided.scatter [tilespmem:s21], [sflag:$0x3], $0x2000, s31, s30, $0x38;
	[tilespmem:$0xE400] =	vst v63  }
0x42: {  	_ =	swait.ge [sflag:s12], $0x2000  }
0x43: {  	[sflag:s12] =	ssyncset.done $0x0  }
0x44: {  	s16 =	sadd.s32 $0x804, s22;
	[sflag:s12] =	ssyncadd.s32 $0xFFFFE000  }
0x45: {  	[hbm4b:s16+s30] =	stream.strided.scatter [tilespmem:s25], [sflag:$0x3], $0x2000, s31, s30, $0x38;
	[tilespmem:$0xE400] =	vst v63  }
0x46: {  	_ =	swait.ge [sflag:s12], $0x2000  }
0x47: {  	[sflag:s12] =	ssyncset.done $0x0  }
0x48: {  	s18 =	simm.s32 $0x600;
	[sflag:s12] =	ssyncadd.s32 $0xFFFFE000  }
0x49: {  	[tilespmem:s21], [sflag:$0x2] =	stream.indirect.gather [hbm4b:s3+s13], $0x20, s18, s13, $0xb8;
	[tilespmem:$0xE400] =	vst v63  }
0x4a: {  	s20 =	simm.s32 $0x680  }
0x4b: {  	[tilespmem:s23], [sflag:$0x2] =	stream.indirect.gather [hbm4b:s3+s13], $0x20, s20, s13, $0xb8;
	[tilespmem:$0xE400] =	vst v63  }
0x4c: {  	s22 =	simm.s32 $0x700;
	s16 =	simm.s32 $0x1000;
	s18 =	simm.s32 $0x780  }
0x4d: {  	[tilespmem:s25], [sflag:$0x2] =	stream.indirect.gather [hbm4b:s3+s13], $0x20, s22, s13, $0xb8;
	[tilespmem:$0xE400] =	vst v63  }
.LBB2_2:
0x4e: {  	[tilespmem:s28], [sflag:$0x2] =	stream.indirect.gather [hbm4b:s3+s13], $0x20, s18, s13, $0xb8;
	[tilespmem:$0xE400] =	vst v63  }
0x4f: {  	s18 =	smov.u32 s16  }
0x50: {  	p0 =	sne.s32 s16, $0x17000;
	s16 =	sadd.s32 $0x1000, s16;
	_ =	swait.ge [sflag:s29], $0x2000  }
0x51: {  	[sflag:s29] =	ssyncset.done $0x0  }
0x52: {  	[sflag:s29] =	ssyncadd.s32 $0xFFFFE000  }
0x53: {  	_ =	swait.ge [sflag:s29], $0x2000  }
0x54: {  	[sflag:s29] =	ssyncset.done $0x0  }
0x55: {  	s20 =	sadd.s32 s18, s10;
	[sflag:s29] =	ssyncadd.s32 $0xFFFFE000  }
0x56: {  	[hbm4b:s20+s30] =	stream.strided.scatter [tilespmem:s14], [sflag:$0x3], $0x2000, s31, s30, $0x38;
	[tilespmem:$0xE400] =	vst v63  }
0x57: {  	_ =	swait.ge [sflag:s12], $0x2000  }
0x58: {  	[sflag:s12] =	ssyncset.done $0x0  }
0x59: {  	s20 =	sadd.s32 $0x4, s20;
	[sflag:s12] =	ssyncadd.s32 $0xFFFFE000  }
0x5a: {  	[hbm4b:s20+s30] =	stream.strided.scatter [tilespmem:s17], [sflag:$0x3], $0x2000, s31, s30, $0x38;
	[tilespmem:$0xE400] =	vst v63  }
0x5b: {  	_ =	swait.ge [sflag:s12], $0x2000  }
0x5c: {  	s20 =	sshra.s32 s18, $0x2;
	[sflag:s12] =	ssyncset.done $0x0  }
0x5d: {  	s22 =	sadd.s32 $0x400, s20;
	[sflag:s12] =	ssyncadd.s32 $0xFFFFE000  }
0x5e: {  	[tilespmem:s14], [sflag:$0x1] =	stream.indirect.gather [hbm4b:s3+s13], $0x20, s22, s13, $0xb8;
	[tilespmem:$0xE400] =	vst v63  }
0x5f: {  	s22 =	sadd.s32 $0x480, s20  }
0x60: {  	[tilespmem:s15], [sflag:$0x1] =	stream.indirect.gather [hbm4b:s3+s13], $0x20, s22, s13, $0xb8;
	[tilespmem:$0xE400] =	vst v63  }
0x61: {  	s22 =	sadd.s32 $0x500, s20  }
0x62: {  	[tilespmem:s17], [sflag:$0x1] =	stream.indirect.gather [hbm4b:s3+s13], $0x20, s22, s13, $0xb8;
	[tilespmem:$0xE400] =	vst v63  }
0x63: {  	s22 =	sadd.s32 $0x580, s20  }
0x64: {  	[tilespmem:s19], [sflag:$0x1] =	stream.indirect.gather [hbm4b:s3+s13], $0x20, s22, s13, $0xb8;
	[tilespmem:$0xE400] =	vst v63  }
0x65: {  	_ =	swait.ge [sflag:s0], $0x2000  }
0x66: {  	[sflag:s0] =	ssyncset.done $0x0  }
0x67: {  	[sflag:s0] =	ssyncadd.s32 $0xFFFFE000  }
0x68: {  	_ =	swait.ge [sflag:s0], $0x2000  }
0x69: {  	s18 =	sadd.s32 s18, s11;
	[sflag:s0] =	ssyncset.done $0x0  }
0x6a: {  	s22 =	sadd.s32 $0x800, s18;
	[sflag:s0] =	ssyncadd.s32 $0xFFFFE000  }
0x6b: {  	[hbm4b:s22+s30] =	stream.strided.scatter [tilespmem:s21], [sflag:$0x3], $0x2000, s31, s30, $0x38;
	[tilespmem:$0xE400] =	vst v63  }
0x6c: {  	_ =	swait.ge [sflag:s12], $0x2000  }
0x6d: {  	[sflag:s12] =	ssyncset.done $0x0  }
0x6e: {  	s18 =	sadd.s32 $0x804, s18;
	[sflag:s12] =	ssyncadd.s32 $0xFFFFE000  }
0x6f: {  	[hbm4b:s18+s30] =	stream.strided.scatter [tilespmem:s25], [sflag:$0x3], $0x2000, s31, s30, $0x38;
	[tilespmem:$0xE400] =	vst v63  }
0x70: {  	_ =	swait.ge [sflag:s12], $0x2000  }
0x71: {  	[sflag:s12] =	ssyncset.done $0x0  }
0x72: {  	s18 =	sadd.s32 $0x600, s20;
	[sflag:s12] =	ssyncadd.s32 $0xFFFFE000  }
0x73: {  	[tilespmem:s21], [sflag:$0x2] =	stream.indirect.gather [hbm4b:s3+s13], $0x20, s18, s13, $0xb8;
	[tilespmem:$0xE400] =	vst v63  }
.Ltmp0:
0x74: {  	s18 =	sadd.s32 $0x680, s20;
	(pc) =	sbr.rel @p0 .LBB2_2-.Ltmp0, $4  }
0x75: {  	[tilespmem:s23], [sflag:$0x2] =	stream.indirect.gather [hbm4b:s3+s13], $0x20, s18, s13, $0xb8;
	[tilespmem:$0xE400] =	vst v63  }
0x76: {  	s18 =	sadd.s32 $0x700, s20  }
0x77: {  	[tilespmem:s25], [sflag:$0x2] =	stream.indirect.gather [hbm4b:s3+s13], $0x20, s18, s13, $0xb8;
	[tilespmem:$0xE400] =	vst v63  }
0x78: {  	s18 =	sadd.s32 $0x780, s20  }
0x79: {  	[tilespmem:s28], [sflag:$0x2] =	stream.indirect.gather [hbm4b:s3+s13], $0x20, s18, s13, $0xb8;
	[tilespmem:$0xE400] =	vst v63  }
0x7a: {  	_ =	swait.ge [sflag:s29], $0x2000  }
0x7b: {  	[sflag:s29] =	ssyncset.done $0x0  }
0x7c: {  	[sflag:s29] =	ssyncadd.s32 $0xFFFFE000  }
0x7d: {  	_ =	swait.ge [sflag:s29], $0x2000  }
0x7e: {  	[sflag:s29] =	ssyncset.done $0x0  }
0x7f: {  	[sflag:s29] =	ssyncadd.s32 $0xFFFFE000  }
0x80: {  	[hbm4b:s5+s30] =	stream.strided.scatter [tilespmem:s14], [sflag:$0x3], $0x2000, s31, s30, $0x38;
	[tilespmem:$0xE400] =	vst v63  }
0x81: {  	_ =	swait.ge [sflag:s12], $0x2000  }
0x82: {  	[sflag:s12] =	ssyncset.done $0x0  }
0x83: {  	[sflag:s12] =	ssyncadd.s32 $0xFFFFE000  }
0x84: {  	[hbm4b:s6+s30] =	stream.strided.scatter [tilespmem:s17], [sflag:$0x3], $0x2000, s31, s30, $0x38;
	[tilespmem:$0xE400] =	vst v63  }
0x85: {  	_ =	swait.ge [sflag:s12], $0x2000  }
0x86: {  	[sflag:s12] =	ssyncset.done $0x0  }
0x87: {  	[sflag:s12] =	ssyncadd.s32 $0xFFFFE000  }
0x88: {  	_ =	swait.ge [sflag:s0], $0x2000  }
0x89: {  	[sflag:s0] =	ssyncset.done $0x0  }
0x8a: {  	[sflag:s0] =	ssyncadd.s32 $0xFFFFE000  }
0x8b: {  	_ =	swait.ge [sflag:s0], $0x2000  }
0x8c: {  	[sflag:s0] =	ssyncset.done $0x0  }
0x8d: {  	[sflag:s0] =	ssyncadd.s32 $0xFFFFE000  }
0x8e: {  	[hbm4b:s7+s30] =	stream.strided.scatter [tilespmem:s21], [sflag:$0x3], $0x2000, s31, s30, $0x38;
	[tilespmem:$0xE400] =	vst v63  }
0x8f: {  	s1 =	sadd.s32 $0x1, s1;
	_ =	swait.ge [sflag:s12], $0x2000  }
0x90: {  	p0 =	sne.s32 s1, s9;
	[sflag:s12] =	ssyncset.done $0x0  }
.Ltmp1:
0x91: {  	[sflag:s12] =	ssyncadd.s32 $0xFFFFE000;
	(pc) =	sbr.rel @p0 .LBB2_1-.Ltmp1, $4  }
0x92: {  	[hbm4b:s8+s30] =	stream.strided.scatter [tilespmem:s25], [sflag:$0x3], $0x2000, s31, s30, $0x38;
	[tilespmem:$0xE400] =	vst v63  }
0x93: {  	_ =	swait.ge [sflag:s12], $0x2000  }
0x94: {  	[sflag:s12] =	ssyncset.done $0x0  }
0x95: {  	[sflag:s12] =	ssyncadd.s32 $0xFFFFE000  }
0x96: {  	_ =	sfence.sel $0x180000  }
0x97: {  	[bflag:$0x0] =	sbarrier.arrive $0xFFFF  }
0x98: {  	_ =	strace $0x90000047  }
0x99: {  	s0 =	stileid.u32;
	[bflag:$0x2] =	sbarrier.arrive $0xFFFF  }
0x9a: {  	p0 =	sne.s32 s0, $0x0;
	s0 =	rddreg [dreg:$0x2]  }
0x9b: {  	s0 =	sadd.s32 @!p0 $0x100000, s0  }
0x9c: {  	[sflag:s0] =	ssyncadd.tile.s32 @!p0 $0x1;
	_ =	shalt  }
.Lfunc_end2:
_tile_overlayer_lowered:
.L_overlay_start_2:
0x9d: {  	(tag) =	ssettag $0x2  }
0x9e: {  	s0 =	rddreg [dreg:$0x0];
	s2 =	stileid.u32  }
0x9f: {  	s1 =	rddreg [dreg:$0x1];
	p0 =	sne.s32 s2, $0x0  }
0xa0: {  	s3 =	rddreg [dreg:$0x2];
	[bflag:$0x3] =	sbarrier.arrive $0xFFFF;
	s2 =	simm.s32 @!p0 $0x1C03  }
0xa1: {  	[timem:s3], [sflag:s2] =	dma.local @!p0 [hbm:s0], s1  }
0xa2: {  	s0 =	simm.s32 @!p0 $0x3  }
0xa3: {  	_ =	swait.ge @!p0 [sflag:s0], s1  }
0xa4: {  	s1 =	ssub.s32 @!p0 $0x0, s1;
	[sflag:s0] =	ssyncset.done @!p0 $0x0  }
0xa5: {  	[sflag:s0] =	ssyncadd.s32 @!p0 s1  }
0xa6: {  	[bflag:$0x3] =	sbarrier.arrive $0xFFFF  }
0xa7: {  	_ =	shalt  }

// kernel: sparse-core-data-format-call.cloned.1.call-start
scs
called_computation_lowered:
.L_overlay_start_0:
0x0: {  	s2 =	sld [smem:$0x3FD9]  }
0x1: {  	s3 =	sld [smem:$0x3FFE];
	_ =	sdelay $0x1  }
0x2: {  	s1 =	srdreg.scid  }
0x3: {  	s0 =	sand.u32 $0x1, s1  }
0x4: {  	s18 =	sshll.u32 s0, $0xA;
	s2 =	sadd.s32 s3, s2  }
0x5: {  	s2 =	sadd.s32 s2, s18  }
0x6: {  	[smem:$0x3FC3] =	sst s2  }
0x7: {  	_ = 	snop  }
0x8: {  	s2 =	sld [smem:$0x3FD0];
	(tm) =	ssettm $0x1  }
0x9: {  	s19 =	sld [smem:$0x3FFB];
	_ =	sdelay $0x3  }
0xa: {  	_ =	strace s19  }
0xb: {  	s3 =	sld [smem:$0x3FFC];
	_ =	sdelay $0x3  }
0xc: {  	_ =	strace s3  }
0xd: {  	s3 =	sld [smem:$0x3FFD];
	_ =	sdelay $0x3  }
0xe: {  	_ =	strace s3  }
0xf: {  	_ =	strace $0x8FFFFFFF  }
0x10: {  	s20 =	sld [smem:$0x3FDB];
	_ =	sdelay $0x1  }
0x11: {  	s4 =	simm.s32 $_scs_section_size  }
0x12: {  	s5 =	simm.s32 $_size__tile_overlayer_lowered;
	s6 =	simm.s32 $_tile_overlayer_lowered  }
0x13: {  	s23 =	simm.s32 $0x1BFF;
	s22 =	sshll.u32 s6, $0x1;
	s3 =	sadd.s32 s4, s20  }
0x14: {  	s7 =	simm.s32 $0x0;
	s21 =	sshll.u32 s5, $0x1;
	s5 =	sadd.s32 s22, s3  }
0x15: {  	[timem:s7], [sflag:s23] =	dma.local [hbm:s5], s21  }
0x16: {  	_ =	swait.ge [sflag:s23], s21  }
0x17: {  	s4 =	ssub.s32 $0x0, s21;
	[sflag:s23] =	ssyncset.done $0x0  }
0x18: {  	[sflag:s23] =	ssyncadd.s32 s4;
	_ =	sdelay $0x1  }
0x19: {  	s24 =	simm.s32 $0x1B8B  }
0x1a: {  	_ =	swait.ge [sflag:s24], $0x1  }
0x1b: {  	[sflag:s24] =	ssyncset.done $0x0  }
0x1c: {  	s26 =	simm.s32 $0x1B8E;
	s25 =	sld [smem:$0x3FFE];
	[sflag:s24] =	ssyncadd.s32 $0xFFFFFFFF  }
0x1d: {  	s27 =	simm.s32 $execute0_lowered;
	[smem:$0x3FD2] =	sst s26  }
0x1e: {  	s5 =	sshll.u32 s27, $0x1;
	_ =	strace $0x80000049;
	[dreg:$0x1] =	wrdreg $0xFFFFFFFF  }
0x1f: {  	s28 =	simm.s32 $_size_execute0_lowered;
	s3 =	sadd.s32 s3, s5;
	[dreg:$0x0] =	wrdreg $0x0  }
0x20: {  	s5 =	sshll.u32 s28, $0x1;
	[dreg:$0x2] =	wrdreg s3  }
0x21: {  	[dreg:$0x3] =	wrdreg s5  }
0x22: {  	[dreg:$0x4] =	wrdreg $0xC0  }
0x23: {  	_ =	task [dreg:s7], $0x5FFFF  }
0x24: {  	[dreg:$0x1] =	wrdreg $0xFFFFFFFF  }
0x25: {  	[dreg:$0x0] =	wrdreg $0x60  }
0x26: {  	[dreg:$0x2] =	wrdreg s25  }
0x27: {  	[dreg:$0x3] =	wrdreg s2  }
0x28: {  	[dreg:$0x4] =	wrdreg $0x9  }
0x29: {  	_ =	task.clear_ibuf [dreg:s7], $0x5FFFF;
	_ =	strace $0x90000049  }
0x2a: {  	s29 =	simm.s32 $0x9;
	_ =	strace $0x8000004B  }
0x2b: {  	_ =	swait.ge [sflag:s29], $0x1  }
0x2c: {  	[sflag:s29] =	ssyncadd.s32 $0xFFFFFFFF  }
0x2d: {  	_ =	strace $0x9000004B  }
0x2e: {  	_ =	sfence  }
0x2f: {  	s30 =	sld [smem:$0x0];
	_ =	sdelay $0x2  }
0x30: {  	s31 =	sshll.u32 s1, $0xD;
	s1 =	sshrl.u32 s1, $0x2  }
0x31: {  	s3 =	sand.u32 $0x4000, s31;
	s1 =	sadd.s32 s1, s30  }
0x32: {  	s0 =	sor.u32 s3, s0;
	s1 =	sshll.u32 s1, $0x11  }
0x33: {  	s0 =	sor.u32 s1, s0  }
0x34: {  	s0 =	sadd.s32 $0x8F2B, s0  }
0x35: {  	[sflag:s0] =	ssyncadd.remote.s32 $0x1  }
0x36: {  	_ =	sfence.sel $0xFFFF  }
0x37: {  	[dreg:$0x0] =	wrdreg $0xFFFFFFFF;
	(pc) =	sbr.abs _section_cstart, $3  }
0x38: {  	[dreg:$0x1] =	wrdreg $0xFFFFFFFF  }
0x39: {  	_ =	task.clear_ibuf [dreg:s7], $0x2FFFF;
	_ =	strace $0x9FFFFFFF  }
0x3a: {  	(tm) =	ssettm $0x7FFFFFFF  }
0x3b: {  	_ =	shalt  }
tec
execute0_lowered:
.L_overlay_start_1:
0x0: {  	(tag) =	ssettag $0x1  }
0x1: {  	s0 =	srdreg.scid  }
0x2: {  	s1 =	sshll.u32 s0, $0x4  }
0x3: {  	s0 =	stileid.u32;
	s1 =	sand.u32 $0x10, s1  }
0x4: {  	s1 =	sor.u32 s0, s1  }
0x5: {  	s6 =	rddreg [dreg:$0x0];
	s4 =	simm.s32 $0x1;
	s2 =	sshll.u32 s1, $0x7  }
0x6: {  	s7 =	simm.s32 $0x2;
	s12 =	simm.s32 $0x0;
	s1 =	ssub.s32 $0x1000, s2  }
0x7: {  	s8 =	simm.s32 $0x8000;
	s13 =	simm.s32 $0x0;
	s3 =	sand.u32 $0xF80, s1  }
0x8: {  	s9 =	simm.s32 $0x0;
	s5 =	sshrl.u32 s1, $0xC;
	p0 =	sne.s32 s3, $0x0  }
.Ltmp0:
0x9: {  	s1 =	rddreg [dreg:$0x2];
	s4 =	simm.s32 @!p0 $0x0;
	(pc) =	sbr.rel .LBB1_1-.Ltmp0, $4  }
0xa: {  	s11 =	simm.s32 $0x0;
	s3 =	rddreg [dreg:$0x1];
	s5 =	sadd.s32 s4, s5  }
0xb: {  	_ =	strace $0x8000004A;
	s4 =	simm.s32 $0x1;
	s5 =	smul.u32 $0xC8, s5  }
0xc: {  	s6 =	sadd.s32 $0x1000, s6;
	s10 =	smov.u32 s2;
	[sflag:s4] =	ssyncpa.u1 $0x0  }
0xd: {  	p0 =	por $0x0, $0x0;
	[sflag:s7] =	ssyncpa.u1 $0x0;
	s7 =	sor.u32 $0x1, s5  }
.LBB1_4:
0xe: {  	s16 =	sshll.u32 s13, $0x3;
	s17 =	sand.u32 $0x78, s13  }
0xf: {  	s30 =	sand.u32 $0x7E00, s13;
	s12 =	sshll.u32 s12, $0xF;
	s16 =	sand.u32 $0xC00, s16  }
0x10: {  	[tilespmem:s15+$0x810 ss:$0x81] =	vst.msk $0xffff, v2;
	s31 =	sand.u32 $0x7, s13;
	s16 =	sor.u32 s17, s16;
	s17 =	sadd.s32 s3, s30  }
0x11: {  	[tilespmem:s15+$0x1020 ss:$0x81] =	vst.msk $0xffff, v0;
	s13 =	sshll.u32 s31, $0x12;
	s12 =	sadd.s32 s12, s17;
	s16 =	sshrl.u32 s16, $0x3  }
0x12: {  	[tilespmem:s15+$0x0 ss:$0x81] =	vst.msk $0xffff, v1;
	s13 =	sor.u32 $0x400, s13;
	s12 =	sadd.s32 s16, s12  }
0x13: {  	[hbm4b:s12+s13] =	stream.strided.scatter [tilespmem:s14], [sflag:$0x2], $0x2000, s8, s13, $0x20;
	[tilespmem:$0x8080] =	vst v63  }
.LBB1_5:
0x14: {  	s14 =	sadd.s32 $0x1, s9  }
0x15: {  	s12 =	sadd.s32 $0x1000, s10;
	s16 =	smov.u32 s10;
	p2 =	sgt.s32 s14, $0xC7  }
0x16: {  	s16 =	smov.u32 @p2 s12  }
0x17: {  	s14 =	simm.s32 @p2 $0x0;
	p2 =	sgt.s32 s16, $0xFFF  }
0x18: {  	s16 =	smov.u32 @p2 s2;
	p2 =	sne.s32 s11, s7  }
.Ltmp1:
0x19: {  	p1 =	slt.u32 s11, $0x2;
	(pc) =	sbr.rel @!p2 .LBB1_6-.Ltmp1, $4  }
0x1a: {  	s15 =	simm.s32 @!p1 $0x2  }
0x1b: {  	s13 =	smov.u32 s10;
	p0 =	por !p0, !p0;
	_ =	swait.ge @!p1 [sflag:s15], $0x2000  }
0x1c: {  	s12 =	smov.u32 s9;
	[sflag:s15] =	ssyncset.done @!p1 $0x0;
	s9 =	smov.u32 s14  }
0x1d: {  	s11 =	sadd.s32 $0x1, s11;
	[sflag:s15] =	ssyncadd.s32 @!p1 $0xFFFFE000;
	s10 =	smov.u32 s16  }
.LBB1_1:
0x1e: {  	p1 =	sge.u32 s11, s5  }
0x1f: {  	s14 =	sand.u32 @!p1 $0x1FFFFFF, s9  }
0x20: {  	s15 =	smulhi.u32 @!p1 $0x147AE15, s14;
	_ =	sdelay $0x1  }
0x21: {  	s15 =	smul.u32 @!p1 $0xC8, s15  }
0x22: {  	s16 =	sxor.u32 @!p1 $0xFFFFFFFF, s11;
	s17 =	smul.u32 @!p1 $0xC80, s10  }
0x23: {  	s31 =	sadd.s32 $0xFFFFFFFF, s11;
	s16 =	sshll.u32 @!p1 s16, $0xD;
	s14 =	ssub.s32 @!p1 s14, s15  }
0x24: {  	s15 =	sand.u32 @!p1 $0x2000, s16;
	s16 =	sadd.s32 @!p1 s6, s17;
	s14 =	sshll.u32 @!p1 s14, $0x4  }
0x25: {  	s17 =	simm.s32 @!p1 $0x6400;
	s14 =	sadd.s32 @!p1 s14, s16;
	s16 =	simm.s32 @!p1 $0x40  }
0x26: {  	[tilespmem:s15], [sflag:$0x1] =	stream.strided.gather @!p1 [hbm4b:s14+s16], $0x2000, s17, s16, $0x38;
	[tilespmem:$0x8080] =	vst v63  }
0x27: {  	p1 =	sge.u32 s31, s5  }
.Ltmp2:
0x28: {  	_ = 	snop;
	(pc) =	sbr.rel @p1 .LBB1_5-.Ltmp2, $1  }
0x29: {  	_ =	sdelay $0x3  }
0x2a: {  	s14 =	simm.s32 $0x1  }
0x2b: {  	_ =	swait.ge [sflag:s4], $0x2000;
	s14 =	simm.s32 @!p0 $0x0  }
0x2c: {  	[sflag:s4] =	ssyncset.done $0x0;
	s15 =	sshll.u32 s14, $0xD  }
0x2d: {  	[sflag:s4] =	ssyncadd.s32 $0xFFFFE000;
	s18 =	sor.u32 $0x20, s15  }
0x2e: {  	s14 =	smul.u32 $0x8100, s14;
	v3 =	vld [tilespmem:s18+$0x10]  }
0x2f: {  	s30 =	sand.u32 $0x1, s11;
	v2 =	vld [tilespmem:s18+$0xFFFFFFF0]  }
0x30: {  	s15 =	smul.u32 $0x8100, s30;
	s14 =	sshrl.u32 s14, $0x2;
	v0 =	vld [tilespmem:s18+$0x0]  }
0x31: {  	v1 =	vld [tilespmem:s18+$0xFFFFFFE0];
	s16 =	sor.u32 $0x4000, s14  }
0x32: {  	s31 =	sshrl.u32 s15, $0x2;
	s15 =	sadd.s32 $0x0, s16  }
0x33: {  	s17 =	simm.s32 $0x4;
	s18 =	sadd.s32 $0x40, s18;
	s14 =	sor.u32 $0x4000, s31;
	[tilespmem:s15+$0x1830 ss:$0x81] =	vst.msk $0xffff, v3  }
.LBB1_3:
0x34: {  	v3 =	vld [tilespmem:s18+$0x10];
	p1 =	sne.s32 s17, $0x1FC;
	[tilespmem:s15+$0x810 ss:$0x81] =	vst.msk $0xffff, v2;
	s19 =	smov.u32 s17;
	s17 =	sadd.s32 $0x4, s17  }
.Ltmp3:
0x35: {  	v2 =	vld [tilespmem:s18+$0xFFFFFFF0];
	[tilespmem:s15+$0x1020 ss:$0x81] =	vst.msk $0xffff, v0;
	(pc) =	sbr.rel @p1 .LBB1_3-.Ltmp3, $4  }
0x36: {  	v0 =	vld [tilespmem:s18+$0x0];
	[tilespmem:s15+$0x0 ss:$0x81] =	vst.msk $0xffff, v1  }
0x37: {  	s15 =	sshra.s32 s19, $0x2;
	v1 =	vld [tilespmem:s18+$0xFFFFFFE0]  }
0x38: {  	s15 =	sadd.s32 s15, s16  }
0x39: {  	s18 =	sadd.s32 $0x40, s18;
	[tilespmem:s15+$0x1830 ss:$0x81] =	vst.msk $0xffff, v3  }
.Ltmp4:
0x3a: {  	_ = 	snop;
	(pc) =	sbr.rel .LBB1_4-.Ltmp4, $1  }
0x3b: {  	_ =	sdelay $0x3  }
.LBB1_6:
0x3c: {  	_ =	sfence.sel $0x180000  }
0x3d: {  	s2 =	simm.s32 $0x1;
	[bflag:$0x0] =	sbarrier.arrive $0xFFFF  }
0x3e: {  	s31 =	simm.s32 $0x2;
	[sflag:s2] =	ssyncpa.u1 $0x1  }
0x3f: {  	[sflag:s31] =	ssyncpa.u1 $0x1  }
0x40: {  	p0 =	sne.s32 s0, $0x0;
	_ =	strace $0x9000004A  }
0x41: {  	s0 =	sadd.s32 @!p0 $0x100000, s1;
	[bflag:$0x2] =	sbarrier.arrive $0xFFFF  }
0x42: {  	[sflag:s0] =	ssyncadd.tile.s32 @!p0 $0x1;
	_ =	shalt  }
.Lfunc_end1:
_tile_overlayer_lowered:
.L_overlay_start_2:
0x43: {  	(tag) =	ssettag $0x2  }
0x44: {  	s0 =	rddreg [dreg:$0x0];
	s2 =	stileid.u32  }
0x45: {  	s1 =	rddreg [dreg:$0x1];
	p0 =	sne.s32 s2, $0x0  }
0x46: {  	s3 =	rddreg [dreg:$0x2];
	[bflag:$0x3] =	sbarrier.arrive $0xFFFF;
	s2 =	simm.s32 @!p0 $0x1C01  }
0x47: {  	[timem:s3], [sflag:s2] =	dma.local @!p0 [hbm:s0], s1  }
0x48: {  	s0 =	simm.s32 @!p0 $0x1  }
0x49: {  	_ =	swait.ge @!p0 [sflag:s0], s1  }
0x4a: {  	s1 =	ssub.s32 @!p0 $0x0, s1;
	[sflag:s0] =	ssyncset.done @!p0 $0x0  }
0x4b: {  	[sflag:s0] =	ssyncadd.s32 @!p0 s1  }
0x4c: {  	[bflag:$0x3] =	sbarrier.arrive $0xFFFF  }
0x4d: {  	_ =	shalt  }

</sc_bundles>
